<compile_context>
chip_gen: v7x
topology: tpu7x:2x2x1
jax: 0.10.2.dev20260603
libtpu: 0.0.44.dev20260713+nightly
codegen_flags: <defaults>
</compile_context>

<pallas_src>
import dataclasses
import functools

import jax
import jax.numpy as jnp
from jax import lax
from jax.experimental import pallas as pl
from jax.experimental.pallas import tpu as pltpu
from jax.experimental.pallas import tpu_sc as plsc

_N = 4096
_K = 819
_ROWS = 512
_GRID = _N // _ROWS
_L = 16
_NV = _N // _L
_IMIN_INT = -2147483648


def _imin():
    return jnp.int32(_IMIN_INT)


def _rowsum_body(adj_ref, score_ref):
    score_ref[...] = jnp.sum(adj_ref[...], axis=1)


def _row_sums(adj):
    return pl.pallas_call(
        _rowsum_body,
        grid=(_GRID,),
        in_specs=[pl.BlockSpec((_ROWS, _N), lambda i: (i, 0))],
        out_specs=pl.BlockSpec((_ROWS,), lambda i: (i,)),
        out_shape=jax.ShapeDtypeStruct((_N,), jnp.float32),
    )(adj)


def _topk_mask_sc(scores):
    mesh = plsc.VectorSubcoreMesh(core_axis_name="c", subcore_axis_name="s", num_cores=1, num_subcores=1)
    cp = pltpu.CompilerParams()
    if "needs_layout_passes" in pltpu.CompilerParams.__dataclass_fields__:
        cp = dataclasses.replace(cp, needs_layout_passes=False)

    @functools.partial(
        pl.kernel,
        mesh=mesh,
        compiler_params=cp,
        out_type=jax.ShapeDtypeStruct((_N,), jnp.float32),
        scratch_types=[
            pltpu.VMEM((_N,), jnp.float32),
            pltpu.VMEM((_N,), jnp.int32),
            pltpu.VMEM((_N,), jnp.float32),
            pltpu.SemaphoreType.DMA,
        ],
    )
    def _mask_kernel(scores_hbm, mask_hbm, sv, kv, mv, sem):
        cid = lax.axis_index("c")
        sid = lax.axis_index("s")

        @pl.when(jnp.logical_and(cid == 0, sid == 0))
        def _():
            pltpu.sync_copy(scores_hbm, sv)

            def key_body(j, carry):
                x = sv[pl.ds(j * _L, _L)]
                bits = plsc.bitcast(x, jnp.int32)
                neg = jnp.bitwise_xor(jnp.bitwise_not(bits), _imin())
                kv[pl.ds(j * _L, _L)] = jnp.where(bits >= 0, bits, neg)
                return carry

            lax.fori_loop(0, _NV, key_body, jnp.int32(0), unroll=8)

            def count_ge(cand_s):
                def body(j, acc):
                    v = kv[pl.ds(j * _L, _L)]
                    return acc + (v >= cand_s).astype(jnp.int32)

                acc = lax.fori_loop(
                    0, _NV, body, jnp.zeros((_L,), jnp.int32), unroll=16
                )
                return jnp.sum(acc)

            def mm_body(j, carry):
                mn, mx = carry
                v = kv[pl.ds(j * _L, _L)]
                return jnp.minimum(mn, v), jnp.maximum(mx, v)

            mn_v, mx_v = lax.fori_loop(
                0,
                _NV,
                mm_body,
                (
                    jnp.full((_L,), 2147483647, jnp.int32),
                    jnp.full((_L,), _IMIN_INT, jnp.int32),
                ),
                unroll=8,
            )
            mn_s = jnp.min(mn_v)
            mx_s = jnp.max(mx_v)
            diff = mn_s ^ mx_s
            fb = lax.bitcast_convert_type(
                jnp.maximum(diff, 1).astype(jnp.float32), jnp.int32
            )
            msb = ((fb >> 23) & 0xFF) - 127
            steps = jnp.where(
                diff == 0, 0, jnp.where(diff < 0, jnp.int32(32), msb + 1)
            )
            low_mask = jnp.where(
                steps >= 32,
                jnp.int32(-1),
                (jnp.int32(1) << jnp.minimum(steps, 31)) - 1,
            )
            prefix0_u = (mx_s ^ _imin()) & ~low_mask

            def bit_step(i, prefix_u):
                cand_u = prefix_u | (jnp.int32(1) << (steps - 1 - i))
                cnt = count_ge(cand_u ^ _imin())
                return lax.select(cnt >= _K, cand_u, prefix_u)

            thresh_u = lax.fori_loop(0, steps, bit_step, prefix0_u)
            thresh_s = thresh_u ^ _imin()

            def gt_body(j, acc):
                v = kv[pl.ds(j * _L, _L)]
                return acc + (v > thresh_s).astype(jnp.int32)

            c1 = jnp.sum(
                lax.fori_loop(
                    0, _NV, gt_body, jnp.zeros((_L,), jnp.int32), unroll=16
                )
            )
            r = jnp.int32(_K) - c1

            def mask_step(j, tie_cnt):
                v = kv[pl.ds(j * _L, _L)]
                gt = v > thresh_s
                eq = v == thresh_s
                eqi = eq.astype(jnp.int32)
                inc = jnp.cumsum(eqi)
                excl = tie_cnt + inc - eqi
                m = jnp.logical_or(gt, jnp.logical_and(eq, excl < r))
                mv[pl.ds(j * _L, _L)] = jnp.where(m, jnp.float32(1.0), jnp.float32(0.0))
                return tie_cnt + jnp.sum(eqi)

            lax.fori_loop(0, _NV, mask_step, jnp.int32(0), unroll=8)
            pltpu.sync_copy(mv, mask_hbm)

    return _mask_kernel(scores)


_BROWS = 512
_BGRID = _N // _BROWS


def _build_body(mrow_ref, mcol_ref, out_ref):
    i = pl.program_id(0)
    mr = mrow_ref[...].reshape(_BROWS, 1)
    mc = mcol_ref[...].reshape(1, _N)
    o = jnp.maximum(mr, mc)
    row = lax.broadcasted_iota(jnp.int32, (_BROWS, _N), 0) + i * _BROWS
    col = lax.broadcasted_iota(jnp.int32, (_BROWS, _N), 1)
    out_ref[...] = jnp.where(row == col, jnp.float32(1.0), o)


def _build(mask):
    return pl.pallas_call(
        _build_body,
        grid=(_BGRID,),
        in_specs=[
            pl.BlockSpec((_BROWS,), lambda i: (i,)),
            pl.BlockSpec((_N,), lambda i: (0,)),
        ],
        out_specs=pl.BlockSpec((_BROWS, _N), lambda i: (i, 0)),
        out_shape=jax.ShapeDtypeStruct((_N, _N), jnp.float32),
    )(mask, mask)


def kernel(H, adj):
    scores = _row_sums(adj)
    mask = _topk_mask_sc(scores)
    return _build(mask)

# --- scband reference (transcript-rebuilt; emitter-appended) ---
"""Pipeline reference for scband-pivotal-node-identification-module-16054587752785 (READ-ONLY COPY).

The authoritative reference and input builder live on the scoring server;
editing this copy changes nothing except your own understanding.
"""

import jax, jax.numpy as jnp
import numpy as np

K_RATIO = 0.2

def setup_inputs(seed: int = 0) -> dict:
    key = jax.random.key(seed)
    k1, k2 = jax.random.split(key)
    H = jax.random.normal(k1, (4, 12, 4096, 64), dtype=jnp.float32)
    adj = jax.random.uniform(k2, (4096, 4096), dtype=jnp.float32)
    return {"H": H, "adj": adj}

def reference(H, adj):
    B, T, N, D = H.shape
    # degree-centrality score per node
    Score = jnp.sum(adj, axis=1)
    K = int(N * K_RATIO)
    if K == 0:
        K = 1
    _, pivotal_nodes = jax.lax.top_k(Score, K)
    # star-connection adjacency from pivotal nodes
    A_piv = jnp.zeros_like(adj)
    A_piv = A_piv.at[pivotal_nodes, :].set(1.0)
    A_piv = A_piv.at[:, pivotal_nodes].set(1.0)
    A_piv = A_piv + jnp.eye(N, dtype=adj.dtype)
    A_piv = jnp.where(A_piv > 0, 1.0, 0.0).astype(jnp.float32)
    return A_piv

if __name__ == "__main__":
    import jax
    _d = setup_inputs()
    print(jax.jit(kernel)(*tuple(_d.values())))

</pallas_src>

<mosaic_0001>
#map = affine_map<(d0, d1) -> (0)>
module attributes {stable_mosaic.version = 14 : i64} {
  func.func @_mask_kernel(%arg0: i32, %arg1: i32, %arg2: memref<4096xf32, #tpu.memory_space<hbm>>, %arg3: memref<4096xf32, #tpu.memory_space<hbm>>, %arg4: memref<4096xf32, #tpu.memory_space<vmem>>, %arg5: memref<4096xi32, #tpu.memory_space<vmem>>, %arg6: memref<4096xf32, #tpu.memory_space<vmem>>, %arg7: memref<!tpu.dma_semaphore, #tpu.memory_space<semaphore_mem>>) attributes {dimension_semantics = [#tpu.dimension_semantics<core_parallel>, #tpu.dimension_semantics<subcore_parallel>], iteration_bounds = array<i64: 1, 1>, scalar_prefetch = 0 : i64, scratch_operands = 4 : i64, tpu.core_type = #tpu.core_type<sc_vector_subcore>, window_params = [{transform_indices = #map}, {transform_indices = #map}]} {
    %eq3A = arith.constant 0 : i32
    %eq3A_0 = arith.cmpi eq, %arg0, %eq3A : i32
    %eq3A_1 = arith.constant 0 : i32
    %eq3A_2 = arith.cmpi eq, %arg1, %eq3A_1 : i32
    %and3A = arith.andi %eq3A_0, %eq3A_2 : i1
    %convert_element_type3A = arith.extui %and3A : i1 to i32
    %cond3A = arith.constant 0 : i32
    %cond3A_3 = arith.cmpi ne, %convert_element_type3A, %cond3A : i32
    scf.if %cond3A_3 {
      "tpu.region"() ({
        %run_scoped3A = tpu.sem_alloc : memref<!tpu.dma_semaphore, #tpu.memory_space<semaphore_mem>>
        tpu.enqueue_dma source(%arg2 : memref<4096xf32, #tpu.memory_space<hbm>>) target(%arg4 : memref<4096xf32, #tpu.memory_space<vmem>>) target_semaphore(%run_scoped3A : memref<!tpu.dma_semaphore, #tpu.memory_space<semaphore_mem>>)
        tpu.wait_dma2 semaphore(%run_scoped3A : memref<!tpu.dma_semaphore, #tpu.memory_space<semaphore_mem>>) src(%arg2 : memref<4096xf32, #tpu.memory_space<hbm>>) dst(%arg4 : memref<4096xf32, #tpu.memory_space<vmem>>)
        tpu.yield
      }) : () -> ()
      %scan3A = arith.constant 0 : i32
      %scan3A_4 = arith.constant 0 : i32
      %scan3A_5 = arith.constant 256 : i32
      %scan3A_6 = arith.addi %scan3A_4, %scan3A_5 : i32
      %scan3A_7 = arith.constant 8 : i32
      scf.for %scan3A_87 = %scan3A_4 to %scan3A_6 step %scan3A_7  : i32 {
        %mul3A = arith.constant 16 : i32
        %mul3A_88 = arith.muli %scan3A_87, %mul3A : i32
        %get3A = arith.index_cast %mul3A_88 : i32 to index
        %get3A_89 = tpu.vector_load %arg4[%get3A] {strides = array<i32>} : memref<4096xf32, #tpu.memory_space<vmem>>, vector<16xf32>,
        %bitcast3A = vector.bitcast %get3A_89 : vector<16xf32> to vector<16xi32>
        %not3A_90 = arith.constant dense<-1> : vector<16xi32>
        %not3A_91 = arith.xori %bitcast3A, %not3A_90 : vector<16xi32>
        %xor3A_92 = arith.constant -2147483648 : i32
        %xor3A_93 = vector.broadcast %xor3A_92 : i32 to vector<16xi32>
        %xor3A_94 = arith.xori %not3A_91, %xor3A_93 : vector<16xi32>
        %ge3A_95 = arith.constant 0 : i32
        %ge3A_96 = vector.broadcast %ge3A_95 : i32 to vector<16xi32>
        %ge3A_97 = arith.cmpi sge, %bitcast3A, %ge3A_96 : vector<16xi32>
        %select_n3A_98 = arith.select %ge3A_97, %bitcast3A, %xor3A_94 : vector<16xi1>, vector<16xi32>
        %mul3A_99 = arith.constant 16 : i32
        %mul3A_100 = arith.muli %scan3A_87, %mul3A_99 : i32
        %swap3A = arith.index_cast %mul3A_100 : i32 to index
        %swap3A_101 = tpu.vector_load %arg5[%swap3A] {strides = array<i32>} : memref<4096xi32, #tpu.memory_space<vmem>>, vector<16xi32>,
        tpu.vector_store %arg5[%swap3A], %select_n3A_98 {strides = array<i32>} : memref<4096xi32, #tpu.memory_space<vmem>>, vector<16xi32>,
        %scan3A_102 = arith.constant 1 : i32
        %scan3A_103 = arith.addi %scan3A_87, %scan3A_102 : i32
        %mul3A_104 = arith.constant 16 : i32
        %mul3A_105 = arith.muli %scan3A_103, %mul3A_104 : i32
        %get3A_106 = arith.index_cast %mul3A_105 : i32 to index
        %get3A_107 = tpu.vector_load %arg4[%get3A_106] {strides = array<i32>} : memref<4096xf32, #tpu.memory_space<vmem>>, vector<16xf32>,
        %bitcast3A_108 = vector.bitcast %get3A_107 : vector<16xf32> to vector<16xi32>
        %not3A_109 = arith.constant dense<-1> : vector<16xi32>
        %not3A_110 = arith.xori %bitcast3A_108, %not3A_109 : vector<16xi32>
        %xor3A_111 = arith.constant -2147483648 : i32
        %xor3A_112 = vector.broadcast %xor3A_111 : i32 to vector<16xi32>
        %xor3A_113 = arith.xori %not3A_110, %xor3A_112 : vector<16xi32>
        %ge3A_114 = arith.constant 0 : i32
        %ge3A_115 = vector.broadcast %ge3A_114 : i32 to vector<16xi32>
        %ge3A_116 = arith.cmpi sge, %bitcast3A_108, %ge3A_115 : vector<16xi32>
        %select_n3A_117 = arith.select %ge3A_116, %bitcast3A_108, %xor3A_113 : vector<16xi1>, vector<16xi32>
        %mul3A_118 = arith.constant 16 : i32
        %mul3A_119 = arith.muli %scan3A_103, %mul3A_118 : i32
        %swap3A_120 = arith.index_cast %mul3A_119 : i32 to index
        %swap3A_121 = tpu.vector_load %arg5[%swap3A_120] {strides = array<i32>} : memref<4096xi32, #tpu.memory_space<vmem>>, vector<16xi32>,
        tpu.vector_store %arg5[%swap3A_120], %select_n3A_117 {strides = array<i32>} : memref<4096xi32, #tpu.memory_space<vmem>>, vector<16xi32>,
        %scan3A_122 = arith.constant 2 : i32
        %scan3A_123 = arith.addi %scan3A_87, %scan3A_122 : i32
        %mul3A_124 = arith.constant 16 : i32
        %mul3A_125 = arith.muli %scan3A_123, %mul3A_124 : i32
        %get3A_126 = arith.index_cast %mul3A_125 : i32 to index
        %get3A_127 = tpu.vector_load %arg4[%get3A_126] {strides = array<i32>} : memref<4096xf32, #tpu.memory_space<vmem>>, vector<16xf32>,
        %bitcast3A_128 = vector.bitcast %get3A_127 : vector<16xf32> to vector<16xi32>
        %not3A_129 = arith.constant dense<-1> : vector<16xi32>
        %not3A_130 = arith.xori %bitcast3A_128, %not3A_129 : vector<16xi32>
        %xor3A_131 = arith.constant -2147483648 : i32
        %xor3A_132 = vector.broadcast %xor3A_131 : i32 to vector<16xi32>
        %xor3A_133 = arith.xori %not3A_130, %xor3A_132 : vector<16xi32>
        %ge3A_134 = arith.constant 0 : i32
        %ge3A_135 = vector.broadcast %ge3A_134 : i32 to vector<16xi32>
        %ge3A_136 = arith.cmpi sge, %bitcast3A_128, %ge3A_135 : vector<16xi32>
        %select_n3A_137 = arith.select %ge3A_136, %bitcast3A_128, %xor3A_133 : vector<16xi1>, vector<16xi32>
        %mul3A_138 = arith.constant 16 : i32
        %mul3A_139 = arith.muli %scan3A_123, %mul3A_138 : i32
        %swap3A_140 = arith.index_cast %mul3A_139 : i32 to index
        %swap3A_141 = tpu.vector_load %arg5[%swap3A_140] {strides = array<i32>} : memref<4096xi32, #tpu.memory_space<vmem>>, vector<16xi32>,
        tpu.vector_store %arg5[%swap3A_140], %select_n3A_137 {strides = array<i32>} : memref<4096xi32, #tpu.memory_space<vmem>>, vector<16xi32>,
        %scan3A_142 = arith.constant 3 : i32
        %scan3A_143 = arith.addi %scan3A_87, %scan3A_142 : i32
        %mul3A_144 = arith.constant 16 : i32
        %mul3A_145 = arith.muli %scan3A_143, %mul3A_144 : i32
        %get3A_146 = arith.index_cast %mul3A_145 : i32 to index
        %get3A_147 = tpu.vector_load %arg4[%get3A_146] {strides = array<i32>} : memref<4096xf32, #tpu.memory_space<vmem>>, vector<16xf32>,
        %bitcast3A_148 = vector.bitcast %get3A_147 : vector<16xf32> to vector<16xi32>
        %not3A_149 = arith.constant dense<-1> : vector<16xi32>
        %not3A_150 = arith.xori %bitcast3A_148, %not3A_149 : vector<16xi32>
        %xor3A_151 = arith.constant -2147483648 : i32
        %xor3A_152 = vector.broadcast %xor3A_151 : i32 to vector<16xi32>
        %xor3A_153 = arith.xori %not3A_150, %xor3A_152 : vector<16xi32>
        %ge3A_154 = arith.constant 0 : i32
        %ge3A_155 = vector.broadcast %ge3A_154 : i32 to vector<16xi32>
        %ge3A_156 = arith.cmpi sge, %bitcast3A_148, %ge3A_155 : vector<16xi32>
        %select_n3A_157 = arith.select %ge3A_156, %bitcast3A_148, %xor3A_153 : vector<16xi1>, vector<16xi32>
        %mul3A_158 = arith.constant 16 : i32
        %mul3A_159 = arith.muli %scan3A_143, %mul3A_158 : i32
        %swap3A_160 = arith.index_cast %mul3A_159 : i32 to index
        %swap3A_161 = tpu.vector_load %arg5[%swap3A_160] {strides = array<i32>} : memref<4096xi32, #tpu.memory_space<vmem>>, vector<16xi32>,
        tpu.vector_store %arg5[%swap3A_160], %select_n3A_157 {strides = array<i32>} : memref<4096xi32, #tpu.memory_space<vmem>>, vector<16xi32>,
        %scan3A_162 = arith.constant 4 : i32
        %scan3A_163 = arith.addi %scan3A_87, %scan3A_162 : i32
        %mul3A_164 = arith.constant 16 : i32
        %mul3A_165 = arith.muli %scan3A_163, %mul3A_164 : i32
        %get3A_166 = arith.index_cast %mul3A_165 : i32 to index
        %get3A_167 = tpu.vector_load %arg4[%get3A_166] {strides = array<i32>} : memref<4096xf32, #tpu.memory_space<vmem>>, vector<16xf32>,
        %bitcast3A_168 = vector.bitcast %get3A_167 : vector<16xf32> to vector<16xi32>
        %not3A_169 = arith.constant dense<-1> : vector<16xi32>
        %not3A_170 = arith.xori %bitcast3A_168, %not3A_169 : vector<16xi32>
        %xor3A_171 = arith.constant -2147483648 : i32
        %xor3A_172 = vector.broadcast %xor3A_171 : i32 to vector<16xi32>
        %xor3A_173 = arith.xori %not3A_170, %xor3A_172 : vector<16xi32>
        %ge3A_174 = arith.constant 0 : i32
        %ge3A_175 = vector.broadcast %ge3A_174 : i32 to vector<16xi32>
        %ge3A_176 = arith.cmpi sge, %bitcast3A_168, %ge3A_175 : vector<16xi32>
        %select_n3A_177 = arith.select %ge3A_176, %bitcast3A_168, %xor3A_173 : vector<16xi1>, vector<16xi32>
        %mul3A_178 = arith.constant 16 : i32
        %mul3A_179 = arith.muli %scan3A_163, %mul3A_178 : i32
        %swap3A_180 = arith.index_cast %mul3A_179 : i32 to index
        %swap3A_181 = tpu.vector_load %arg5[%swap3A_180] {strides = array<i32>} : memref<4096xi32, #tpu.memory_space<vmem>>, vector<16xi32>,
        tpu.vector_store %arg5[%swap3A_180], %select_n3A_177 {strides = array<i32>} : memref<4096xi32, #tpu.memory_space<vmem>>, vector<16xi32>,
        %scan3A_182 = arith.constant 5 : i32
        %scan3A_183 = arith.addi %scan3A_87, %scan3A_182 : i32
        %mul3A_184 = arith.constant 16 : i32
        %mul3A_185 = arith.muli %scan3A_183, %mul3A_184 : i32
        %get3A_186 = arith.index_cast %mul3A_185 : i32 to index
        %get3A_187 = tpu.vector_load %arg4[%get3A_186] {strides = array<i32>} : memref<4096xf32, #tpu.memory_space<vmem>>, vector<16xf32>,
        %bitcast3A_188 = vector.bitcast %get3A_187 : vector<16xf32> to vector<16xi32>
        %not3A_189 = arith.constant dense<-1> : vector<16xi32>
        %not3A_190 = arith.xori %bitcast3A_188, %not3A_189 : vector<16xi32>
        %xor3A_191 = arith.constant -2147483648 : i32
        %xor3A_192 = vector.broadcast %xor3A_191 : i32 to vector<16xi32>
        %xor3A_193 = arith.xori %not3A_190, %xor3A_192 : vector<16xi32>
        %ge3A_194 = arith.constant 0 : i32
        %ge3A_195 = vector.broadcast %ge3A_194 : i32 to vector<16xi32>
        %ge3A_196 = arith.cmpi sge, %bitcast3A_188, %ge3A_195 : vector<16xi32>
        %select_n3A_197 = arith.select %ge3A_196, %bitcast3A_188, %xor3A_193 : vector<16xi1>, vector<16xi32>
        %mul3A_198 = arith.constant 16 : i32
        %mul3A_199 = arith.muli %scan3A_183, %mul3A_198 : i32
        %swap3A_200 = arith.index_cast %mul3A_199 : i32 to index
        %swap3A_201 = tpu.vector_load %arg5[%swap3A_200] {strides = array<i32>} : memref<4096xi32, #tpu.memory_space<vmem>>, vector<16xi32>,
        tpu.vector_store %arg5[%swap3A_200], %select_n3A_197 {strides = array<i32>} : memref<4096xi32, #tpu.memory_space<vmem>>, vector<16xi32>,
        %scan3A_202 = arith.constant 6 : i32
        %scan3A_203 = arith.addi %scan3A_87, %scan3A_202 : i32
        %mul3A_204 = arith.constant 16 : i32
        %mul3A_205 = arith.muli %scan3A_203, %mul3A_204 : i32
        %get3A_206 = arith.index_cast %mul3A_205 : i32 to index
        %get3A_207 = tpu.vector_load %arg4[%get3A_206] {strides = array<i32>} : memref<4096xf32, #tpu.memory_space<vmem>>, vector<16xf32>,
        %bitcast3A_208 = vector.bitcast %get3A_207 : vector<16xf32> to vector<16xi32>
        %not3A_209 = arith.constant dense<-1> : vector<16xi32>
        %not3A_210 = arith.xori %bitcast3A_208, %not3A_209 : vector<16xi32>
        %xor3A_211 = arith.constant -2147483648 : i32
        %xor3A_212 = vector.broadcast %xor3A_211 : i32 to vector<16xi32>
        %xor3A_213 = arith.xori %not3A_210, %xor3A_212 : vector<16xi32>
        %ge3A_214 = arith.constant 0 : i32
        %ge3A_215 = vector.broadcast %ge3A_214 : i32 to vector<16xi32>
        %ge3A_216 = arith.cmpi sge, %bitcast3A_208, %ge3A_215 : vector<16xi32>
        %select_n3A_217 = arith.select %ge3A_216, %bitcast3A_208, %xor3A_213 : vector<16xi1>, vector<16xi32>
        %mul3A_218 = arith.constant 16 : i32
        %mul3A_219 = arith.muli %scan3A_203, %mul3A_218 : i32
        %swap3A_220 = arith.index_cast %mul3A_219 : i32 to index
        %swap3A_221 = tpu.vector_load %arg5[%swap3A_220] {strides = array<i32>} : memref<4096xi32, #tpu.memory_space<vmem>>, vector<16xi32>,
        tpu.vector_store %arg5[%swap3A_220], %select_n3A_217 {strides = array<i32>} : memref<4096xi32, #tpu.memory_space<vmem>>, vector<16xi32>,
        %scan3A_222 = arith.constant 7 : i32
        %scan3A_223 = arith.addi %scan3A_87, %scan3A_222 : i32
        %mul3A_224 = arith.constant 16 : i32
        %mul3A_225 = arith.muli %scan3A_223, %mul3A_224 : i32
        %get3A_226 = arith.index_cast %mul3A_225 : i32 to index
        %get3A_227 = tpu.vector_load %arg4[%get3A_226] {strides = array<i32>} : memref<4096xf32, #tpu.memory_space<vmem>>, vector<16xf32>,
        %bitcast3A_228 = vector.bitcast %get3A_227 : vector<16xf32> to vector<16xi32>
        %not3A_229 = arith.constant dense<-1> : vector<16xi32>
        %not3A_230 = arith.xori %bitcast3A_228, %not3A_229 : vector<16xi32>
        %xor3A_231 = arith.constant -2147483648 : i32
        %xor3A_232 = vector.broadcast %xor3A_231 : i32 to vector<16xi32>
        %xor3A_233 = arith.xori %not3A_230, %xor3A_232 : vector<16xi32>
        %ge3A_234 = arith.constant 0 : i32
        %ge3A_235 = vector.broadcast %ge3A_234 : i32 to vector<16xi32>
        %ge3A_236 = arith.cmpi sge, %bitcast3A_228, %ge3A_235 : vector<16xi32>
        %select_n3A_237 = arith.select %ge3A_236, %bitcast3A_228, %xor3A_233 : vector<16xi1>, vector<16xi32>
        %mul3A_238 = arith.constant 16 : i32
        %mul3A_239 = arith.muli %scan3A_223, %mul3A_238 : i32
        %swap3A_240 = arith.index_cast %mul3A_239 : i32 to index
        %swap3A_241 = tpu.vector_load %arg5[%swap3A_240] {strides = array<i32>} : memref<4096xi32, #tpu.memory_space<vmem>>, vector<16xi32>,
        tpu.vector_store %arg5[%swap3A_240], %select_n3A_237 {strides = array<i32>} : memref<4096xi32, #tpu.memory_space<vmem>>, vector<16xi32>,
      }
      %scan3A_8 = arith.constant 256 : i32
      %broadcast_in_dim3A = arith.constant 2147483647 : i32
      %broadcast_in_dim3A_9 = vector.broadcast %broadcast_in_dim3A : i32 to vector<16xi32>
      %broadcast_in_dim3A_10 = arith.constant -2147483648 : i32
      %broadcast_in_dim3A_11 = vector.broadcast %broadcast_in_dim3A_10 : i32 to vector<16xi32>
      %scan3A_12 = arith.constant 0 : i32
      %scan3A_13 = arith.constant 256 : i32
      %scan3A_14 = arith.addi %scan3A_12, %scan3A_13 : i32
      %scan3A_15 = arith.constant 8 : i32
      %scan3A_16:2 = scf.for %scan3A_87 = %scan3A_12 to %scan3A_14 step %scan3A_15 iter_args(%scan3A_88 = %broadcast_in_dim3A_9, %scan3A_89 = %broadcast_in_dim3A_11) -> (vector<16xi32>, vector<16xi32>)  : i32 {
        %mul3A = arith.constant 16 : i32
        %mul3A_90 = arith.muli %scan3A_87, %mul3A : i32
        %get3A = arith.index_cast %mul3A_90 : i32 to index
        %get3A_91 = tpu.vector_load %arg5[%get3A] {strides = array<i32>} : memref<4096xi32, #tpu.memory_space<vmem>>, vector<16xi32>,
        %min3A_92 = arith.minsi %scan3A_88, %get3A_91 : vector<16xi32>
        %max3A_93 = arith.maxsi %scan3A_89, %get3A_91 : vector<16xi32>
        %scan3A_94 = arith.constant 1 : i32
        %scan3A_95 = arith.addi %scan3A_87, %scan3A_94 : i32
        %mul3A_96 = arith.constant 16 : i32
        %mul3A_97 = arith.muli %scan3A_95, %mul3A_96 : i32
        %get3A_98 = arith.index_cast %mul3A_97 : i32 to index
        %get3A_99 = tpu.vector_load %arg5[%get3A_98] {strides = array<i32>} : memref<4096xi32, #tpu.memory_space<vmem>>, vector<16xi32>,
        %min3A_100 = arith.minsi %min3A_92, %get3A_99 : vector<16xi32>
        %max3A_101 = arith.maxsi %max3A_93, %get3A_99 : vector<16xi32>
        %scan3A_102 = arith.constant 2 : i32
        %scan3A_103 = arith.addi %scan3A_87, %scan3A_102 : i32
        %mul3A_104 = arith.constant 16 : i32
        %mul3A_105 = arith.muli %scan3A_103, %mul3A_104 : i32
        %get3A_106 = arith.index_cast %mul3A_105 : i32 to index
        %get3A_107 = tpu.vector_load %arg5[%get3A_106] {strides = array<i32>} : memref<4096xi32, #tpu.memory_space<vmem>>, vector<16xi32>,
        %min3A_108 = arith.minsi %min3A_100, %get3A_107 : vector<16xi32>
        %max3A_109 = arith.maxsi %max3A_101, %get3A_107 : vector<16xi32>
        %scan3A_110 = arith.constant 3 : i32
        %scan3A_111 = arith.addi %scan3A_87, %scan3A_110 : i32
        %mul3A_112 = arith.constant 16 : i32
        %mul3A_113 = arith.muli %scan3A_111, %mul3A_112 : i32
        %get3A_114 = arith.index_cast %mul3A_113 : i32 to index
        %get3A_115 = tpu.vector_load %arg5[%get3A_114] {strides = array<i32>} : memref<4096xi32, #tpu.memory_space<vmem>>, vector<16xi32>,
        %min3A_116 = arith.minsi %min3A_108, %get3A_115 : vector<16xi32>
        %max3A_117 = arith.maxsi %max3A_109, %get3A_115 : vector<16xi32>
        %scan3A_118 = arith.constant 4 : i32
        %scan3A_119 = arith.addi %scan3A_87, %scan3A_118 : i32
        %mul3A_120 = arith.constant 16 : i32
        %mul3A_121 = arith.muli %scan3A_119, %mul3A_120 : i32
        %get3A_122 = arith.index_cast %mul3A_121 : i32 to index
        %get3A_123 = tpu.vector_load %arg5[%get3A_122] {strides = array<i32>} : memref<4096xi32, #tpu.memory_space<vmem>>, vector<16xi32>,
        %min3A_124 = arith.minsi %min3A_116, %get3A_123 : vector<16xi32>
        %max3A_125 = arith.maxsi %max3A_117, %get3A_123 : vector<16xi32>
        %scan3A_126 = arith.constant 5 : i32
        %scan3A_127 = arith.addi %scan3A_87, %scan3A_126 : i32
        %mul3A_128 = arith.constant 16 : i32
        %mul3A_129 = arith.muli %scan3A_127, %mul3A_128 : i32
        %get3A_130 = arith.index_cast %mul3A_129 : i32 to index
        %get3A_131 = tpu.vector_load %arg5[%get3A_130] {strides = array<i32>} : memref<4096xi32, #tpu.memory_space<vmem>>, vector<16xi32>,
        %min3A_132 = arith.minsi %min3A_124, %get3A_131 : vector<16xi32>
        %max3A_133 = arith.maxsi %max3A_125, %get3A_131 : vector<16xi32>
        %scan3A_134 = arith.constant 6 : i32
        %scan3A_135 = arith.addi %scan3A_87, %scan3A_134 : i32
        %mul3A_136 = arith.constant 16 : i32
        %mul3A_137 = arith.muli %scan3A_135, %mul3A_136 : i32
        %get3A_138 = arith.index_cast %mul3A_137 : i32 to index
        %get3A_139 = tpu.vector_load %arg5[%get3A_138] {strides = array<i32>} : memref<4096xi32, #tpu.memory_space<vmem>>, vector<16xi32>,
        %min3A_140 = arith.minsi %min3A_132, %get3A_139 : vector<16xi32>
        %max3A_141 = arith.maxsi %max3A_133, %get3A_139 : vector<16xi32>
        %scan3A_142 = arith.constant 7 : i32
        %scan3A_143 = arith.addi %scan3A_87, %scan3A_142 : i32
        %mul3A_144 = arith.constant 16 : i32
        %mul3A_145 = arith.muli %scan3A_143, %mul3A_144 : i32
        %get3A_146 = arith.index_cast %mul3A_145 : i32 to index
        %get3A_147 = tpu.vector_load %arg5[%get3A_146] {strides = array<i32>} : memref<4096xi32, #tpu.memory_space<vmem>>, vector<16xi32>,
        %min3A_148 = arith.minsi %min3A_140, %get3A_147 : vector<16xi32>
        %max3A_149 = arith.maxsi %max3A_141, %get3A_147 : vector<16xi32>
        scf.yield %min3A_148, %max3A_149 : vector<16xi32>, vector<16xi32>
      }
      %scan3A_17 = arith.constant 256 : i32
      %reduce_min3A = arith.constant true
      %reduce_min3A_18 = vector.broadcast %reduce_min3A : i1 to vector<16xi1>
      %reduce_min3A_19 = arith.constant -2147483648 : i32
      %reduce_min3A_20 = vector.broadcast %reduce_min3A_19 : i32 to vector<16xi32>
      %reduce_min3A_21 = arith.xori %scan3A_16#0, %reduce_min3A_20 : vector<16xi32>
      %reduce_min3A_22 = tpu.scan <min>, %reduce_min3A_21 masked %reduce_min3A_18 : vector<16xi32>, vector<16xi1> -> vector<16xi32>
      %reduce_min3A_23 = arith.xori %reduce_min3A_22, %reduce_min3A_20 : vector<16xi32>
      %reduce_min3A_24 = vector.extract %reduce_min3A_23[15] : i32 from vector<16xi32>
      %reduce_max3A = arith.constant true
      %reduce_max3A_25 = vector.broadcast %reduce_max3A : i1 to vector<16xi1>
      %reduce_max3A_26 = arith.constant -2147483648 : i32
      %reduce_max3A_27 = vector.broadcast %reduce_max3A_26 : i32 to vector<16xi32>
      %reduce_max3A_28 = arith.xori %scan3A_16#1, %reduce_max3A_27 : vector<16xi32>
      %reduce_max3A_29 = tpu.scan <max>, %reduce_max3A_28 masked %reduce_max3A_25 : vector<16xi32>, vector<16xi1> -> vector<16xi32>
      %reduce_max3A_30 = arith.xori %reduce_max3A_29, %reduce_max3A_27 : vector<16xi32>
      %reduce_max3A_31 = vector.extract %reduce_max3A_30[15] : i32 from vector<16xi32>
      %xor3A = arith.xori %reduce_min3A_24, %reduce_max3A_31 : i32
      %max3A = arith.constant 1 : i32
      %max3A_32 = arith.maxsi %xor3A, %max3A : i32
      %convert_element_type3A_33 = arith.sitofp %max3A_32 : i32 to f32
      %bitcast_convert_type3A = arith.bitcast %convert_element_type3A_33 : f32 to i32
      %shift_right_arithmetic3A = arith.constant 23 : i32
      %shift_right_arithmetic3A_34 = arith.shrsi %bitcast_convert_type3A, %shift_right_arithmetic3A : i32
      %and3A_35 = arith.constant 255 : i32
      %and3A_36 = arith.andi %shift_right_arithmetic3A_34, %and3A_35 : i32
      %sub3A = arith.constant 127 : i32
      %sub3A_37 = arith.subi %and3A_36, %sub3A : i32
      %eq3A_38 = arith.constant 0 : i32
      %eq3A_39 = arith.cmpi eq, %xor3A, %eq3A_38 : i32
      %lt3A = arith.constant 0 : i32
      %lt3A_40 = arith.cmpi slt, %xor3A, %lt3A : i32
      %add3A = arith.constant 1 : i32
      %add3A_41 = arith.addi %sub3A_37, %add3A : i32
      %jit3A = arith.constant 32 : i32
      %select_n3A = arith.select %lt3A_40, %jit3A, %add3A_41 : i32
      %jit3A_42 = arith.constant 0 : i32
      %select_n3A_43 = arith.select %eq3A_39, %jit3A_42, %select_n3A : i32
      %ge3A = arith.constant 32 : i32
      %ge3A_44 = arith.cmpi sge, %select_n3A_43, %ge3A : i32
      %min3A = arith.constant 31 : i32
      %min3A_45 = arith.minsi %select_n3A_43, %min3A : i32
      %shift_left3A = arith.constant 1 : i32
      %shift_left3A_46 = arith.shli %shift_left3A, %min3A_45 : i32
      %sub3A_47 = arith.constant 1 : i32
      %sub3A_48 = arith.subi %shift_left3A_46, %sub3A_47 : i32
      %jit3A_49 = arith.constant -1 : i32
      %select_n3A_50 = arith.select %ge3A_44, %jit3A_49, %sub3A_48 : i32
      %xor3A_51 = arith.constant -2147483648 : i32
      %xor3A_52 = arith.xori %reduce_max3A_31, %xor3A_51 : i32
      %not3A = arith.constant -1 : i32
      %not3A_53 = arith.xori %select_n3A_50, %not3A : i32
      %and3A_54 = arith.andi %xor3A_52, %not3A_53 : i32
      %while3A = arith.constant 0 : i32
      %while3A_55 = arith.subi %select_n3A_43, %while3A : i32
      %while3A_56 = arith.addi %while3A, %while3A_55 : i32
      %while3A_57 = arith.constant 1 : i32
      %while3A_58 = arith.divsi %while3A_55, %while3A_57 : i32
      %while3A_59 = arith.muli %while3A_58, %while3A_57 : i32
      %while3A_60 = arith.addi %while3A, %while3A_59 : i32
      %while3A_61 = arith.constant 1 : i32
      %while3A_62 = scf.for %while3A_87 = %while3A to %while3A_60 step %while3A_61 iter_args(%while3A_88 = %and3A_54) -> (i32)  : i32 {
        %sub3A_89 = arith.constant 1 : i32
        %sub3A_90 = arith.subi %select_n3A_43, %sub3A_89 : i32
        %sub3A_91 = arith.subi %sub3A_90, %while3A_87 : i32
        %shift_left3A_92 = arith.constant 1 : i32
        %shift_left3A_93 = arith.shli %shift_left3A_92, %sub3A_91 : i32
        %or3A = arith.ori %while3A_88, %shift_left3A_93 : i32
        %xor3A_94 = arith.constant -2147483648 : i32
        %xor3A_95 = arith.xori %or3A, %xor3A_94 : i32
        %broadcast_in_dim3A_96 = arith.constant 0 : i32
        %broadcast_in_dim3A_97 = vector.broadcast %broadcast_in_dim3A_96 : i32 to vector<16xi32>
        %scan3A_98 = arith.constant 0 : i32
        %scan3A_99 = arith.constant 256 : i32
        %scan3A_100 = arith.addi %scan3A_98, %scan3A_99 : i32
        %scan3A_101 = arith.constant 16 : i32
        %scan3A_102 = scf.for %scan3A_111 = %scan3A_98 to %scan3A_100 step %scan3A_101 iter_args(%scan3A_112 = %broadcast_in_dim3A_97) -> (vector<16xi32>)  : i32 {
          %mul3A = arith.constant 16 : i32
          %mul3A_113 = arith.muli %scan3A_111, %mul3A : i32
          %get3A = arith.index_cast %mul3A_113 : i32 to index
          %get3A_114 = tpu.vector_load %arg5[%get3A] {strides = array<i32>} : memref<4096xi32, #tpu.memory_space<vmem>>, vector<16xi32>,
          %ge3A_115 = vector.broadcast %xor3A_95 : i32 to vector<16xi32>
          %ge3A_116 = arith.cmpi sge, %get3A_114, %ge3A_115 : vector<16xi32>
          %convert_element_type3A_117 = arith.extui %ge3A_116 : vector<16xi1> to vector<16xi32>
          %add3A_118 = arith.addi %scan3A_112, %convert_element_type3A_117 : vector<16xi32>
          %scan3A_119 = arith.constant 1 : i32
          %scan3A_120 = arith.addi %scan3A_111, %scan3A_119 : i32
          %mul3A_121 = arith.constant 16 : i32
          %mul3A_122 = arith.muli %scan3A_120, %mul3A_121 : i32
          %get3A_123 = arith.index_cast %mul3A_122 : i32 to index
          %get3A_124 = tpu.vector_load %arg5[%get3A_123] {strides = array<i32>} : memref<4096xi32, #tpu.memory_space<vmem>>, vector<16xi32>,
          %ge3A_125 = vector.broadcast %xor3A_95 : i32 to vector<16xi32>
          %ge3A_126 = arith.cmpi sge, %get3A_124, %ge3A_125 : vector<16xi32>
          %convert_element_type3A_127 = arith.extui %ge3A_126 : vector<16xi1> to vector<16xi32>
          %add3A_128 = arith.addi %add3A_118, %convert_element_type3A_127 : vector<16xi32>
          %scan3A_129 = arith.constant 2 : i32
          %scan3A_130 = arith.addi %scan3A_111, %scan3A_129 : i32
          %mul3A_131 = arith.constant 16 : i32
          %mul3A_132 = arith.muli %scan3A_130, %mul3A_131 : i32
          %get3A_133 = arith.index_cast %mul3A_132 : i32 to index
          %get3A_134 = tpu.vector_load %arg5[%get3A_133] {strides = array<i32>} : memref<4096xi32, #tpu.memory_space<vmem>>, vector<16xi32>,
          %ge3A_135 = vector.broadcast %xor3A_95 : i32 to vector<16xi32>
          %ge3A_136 = arith.cmpi sge, %get3A_134, %ge3A_135 : vector<16xi32>
          %convert_element_type3A_137 = arith.extui %ge3A_136 : vector<16xi1> to vector<16xi32>
          %add3A_138 = arith.addi %add3A_128, %convert_element_type3A_137 : vector<16xi32>
          %scan3A_139 = arith.constant 3 : i32
          %scan3A_140 = arith.addi %scan3A_111, %scan3A_139 : i32
          %mul3A_141 = arith.constant 16 : i32
          %mul3A_142 = arith.muli %scan3A_140, %mul3A_141 : i32
          %get3A_143 = arith.index_cast %mul3A_142 : i32 to index
          %get3A_144 = tpu.vector_load %arg5[%get3A_143] {strides = array<i32>} : memref<4096xi32, #tpu.memory_space<vmem>>, vector<16xi32>,
          %ge3A_145 = vector.broadcast %xor3A_95 : i32 to vector<16xi32>
          %ge3A_146 = arith.cmpi sge, %get3A_144, %ge3A_145 : vector<16xi32>
          %convert_element_type3A_147 = arith.extui %ge3A_146 : vector<16xi1> to vector<16xi32>
          %add3A_148 = arith.addi %add3A_138, %convert_element_type3A_147 : vector<16xi32>
          %scan3A_149 = arith.constant 4 : i32
          %scan3A_150 = arith.addi %scan3A_111, %scan3A_149 : i32
          %mul3A_151 = arith.constant 16 : i32
          %mul3A_152 = arith.muli %scan3A_150, %mul3A_151 : i32
          %get3A_153 = arith.index_cast %mul3A_152 : i32 to index
          %get3A_154 = tpu.vector_load %arg5[%get3A_153] {strides = array<i32>} : memref<4096xi32, #tpu.memory_space<vmem>>, vector<16xi32>,
          %ge3A_155 = vector.broadcast %xor3A_95 : i32 to vector<16xi32>
          %ge3A_156 = arith.cmpi sge, %get3A_154, %ge3A_155 : vector<16xi32>
          %convert_element_type3A_157 = arith.extui %ge3A_156 : vector<16xi1> to vector<16xi32>
          %add3A_158 = arith.addi %add3A_148, %convert_element_type3A_157 : vector<16xi32>
          %scan3A_159 = arith.constant 5 : i32
          %scan3A_160 = arith.addi %scan3A_111, %scan3A_159 : i32
          %mul3A_161 = arith.constant 16 : i32
          %mul3A_162 = arith.muli %scan3A_160, %mul3A_161 : i32
          %get3A_163 = arith.index_cast %mul3A_162 : i32 to index
          %get3A_164 = tpu.vector_load %arg5[%get3A_163] {strides = array<i32>} : memref<4096xi32, #tpu.memory_space<vmem>>, vector<16xi32>,
          %ge3A_165 = vector.broadcast %xor3A_95 : i32 to vector<16xi32>
          %ge3A_166 = arith.cmpi sge, %get3A_164, %ge3A_165 : vector<16xi32>
          %convert_element_type3A_167 = arith.extui %ge3A_166 : vector<16xi1> to vector<16xi32>
          %add3A_168 = arith.addi %add3A_158, %convert_element_type3A_167 : vector<16xi32>
          %scan3A_169 = arith.constant 6 : i32
          %scan3A_170 = arith.addi %scan3A_111, %scan3A_169 : i32
          %mul3A_171 = arith.constant 16 : i32
          %mul3A_172 = arith.muli %scan3A_170, %mul3A_171 : i32
          %get3A_173 = arith.index_cast %mul3A_172 : i32 to index
          %get3A_174 = tpu.vector_load %arg5[%get3A_173] {strides = array<i32>} : memref<4096xi32, #tpu.memory_space<vmem>>, vector<16xi32>,
          %ge3A_175 = vector.broadcast %xor3A_95 : i32 to vector<16xi32>
          %ge3A_176 = arith.cmpi sge, %get3A_174, %ge3A_175 : vector<16xi32>
          %convert_element_type3A_177 = arith.extui %ge3A_176 : vector<16xi1> to vector<16xi32>
          %add3A_178 = arith.addi %add3A_168, %convert_element_type3A_177 : vector<16xi32>
          %scan3A_179 = arith.constant 7 : i32
          %scan3A_180 = arith.addi %scan3A_111, %scan3A_179 : i32
          %mul3A_181 = arith.constant 16 : i32
          %mul3A_182 = arith.muli %scan3A_180, %mul3A_181 : i32
          %get3A_183 = arith.index_cast %mul3A_182 : i32 to index
          %get3A_184 = tpu.vector_load %arg5[%get3A_183] {strides = array<i32>} : memref<4096xi32, #tpu.memory_space<vmem>>, vector<16xi32>,
          %ge3A_185 = vector.broadcast %xor3A_95 : i32 to vector<16xi32>
          %ge3A_186 = arith.cmpi sge, %get3A_184, %ge3A_185 : vector<16xi32>
          %convert_element_type3A_187 = arith.extui %ge3A_186 : vector<16xi1> to vector<16xi32>
          %add3A_188 = arith.addi %add3A_178, %convert_element_type3A_187 : vector<16xi32>
          %scan3A_189 = arith.constant 8 : i32
          %scan3A_190 = arith.addi %scan3A_111, %scan3A_189 : i32
          %mul3A_191 = arith.constant 16 : i32
          %mul3A_192 = arith.muli %scan3A_190, %mul3A_191 : i32
          %get3A_193 = arith.index_cast %mul3A_192 : i32 to index
          %get3A_194 = tpu.vector_load %arg5[%get3A_193] {strides = array<i32>} : memref<4096xi32, #tpu.memory_space<vmem>>, vector<16xi32>,
          %ge3A_195 = vector.broadcast %xor3A_95 : i32 to vector<16xi32>
          %ge3A_196 = arith.cmpi sge, %get3A_194, %ge3A_195 : vector<16xi32>
          %convert_element_type3A_197 = arith.extui %ge3A_196 : vector<16xi1> to vector<16xi32>
          %add3A_198 = arith.addi %add3A_188, %convert_element_type3A_197 : vector<16xi32>
          %scan3A_199 = arith.constant 9 : i32
          %scan3A_200 = arith.addi %scan3A_111, %scan3A_199 : i32
          %mul3A_201 = arith.constant 16 : i32
          %mul3A_202 = arith.muli %scan3A_200, %mul3A_201 : i32
          %get3A_203 = arith.index_cast %mul3A_202 : i32 to index
          %get3A_204 = tpu.vector_load %arg5[%get3A_203] {strides = array<i32>} : memref<4096xi32, #tpu.memory_space<vmem>>, vector<16xi32>,
          %ge3A_205 = vector.broadcast %xor3A_95 : i32 to vector<16xi32>
          %ge3A_206 = arith.cmpi sge, %get3A_204, %ge3A_205 : vector<16xi32>
          %convert_element_type3A_207 = arith.extui %ge3A_206 : vector<16xi1> to vector<16xi32>
          %add3A_208 = arith.addi %add3A_198, %convert_element_type3A_207 : vector<16xi32>
          %scan3A_209 = arith.constant 10 : i32
          %scan3A_210 = arith.addi %scan3A_111, %scan3A_209 : i32
          %mul3A_211 = arith.constant 16 : i32
          %mul3A_212 = arith.muli %scan3A_210, %mul3A_211 : i32
          %get3A_213 = arith.index_cast %mul3A_212 : i32 to index
          %get3A_214 = tpu.vector_load %arg5[%get3A_213] {strides = array<i32>} : memref<4096xi32, #tpu.memory_space<vmem>>, vector<16xi32>,
          %ge3A_215 = vector.broadcast %xor3A_95 : i32 to vector<16xi32>
          %ge3A_216 = arith.cmpi sge, %get3A_214, %ge3A_215 : vector<16xi32>
          %convert_element_type3A_217 = arith.extui %ge3A_216 : vector<16xi1> to vector<16xi32>
          %add3A_218 = arith.addi %add3A_208, %convert_element_type3A_217 : vector<16xi32>
          %scan3A_219 = arith.constant 11 : i32
          %scan3A_220 = arith.addi %scan3A_111, %scan3A_219 : i32
          %mul3A_221 = arith.constant 16 : i32
          %mul3A_222 = arith.muli %scan3A_220, %mul3A_221 : i32
          %get3A_223 = arith.index_cast %mul3A_222 : i32 to index
          %get3A_224 = tpu.vector_load %arg5[%get3A_223] {strides = array<i32>} : memref<4096xi32, #tpu.memory_space<vmem>>, vector<16xi32>,
          %ge3A_225 = vector.broadcast %xor3A_95 : i32 to vector<16xi32>
          %ge3A_226 = arith.cmpi sge, %get3A_224, %ge3A_225 : vector<16xi32>
          %convert_element_type3A_227 = arith.extui %ge3A_226 : vector<16xi1> to vector<16xi32>
          %add3A_228 = arith.addi %add3A_218, %convert_element_type3A_227 : vector<16xi32>
          %scan3A_229 = arith.constant 12 : i32
          %scan3A_230 = arith.addi %scan3A_111, %scan3A_229 : i32
          %mul3A_231 = arith.constant 16 : i32
          %mul3A_232 = arith.muli %scan3A_230, %mul3A_231 : i32
          %get3A_233 = arith.index_cast %mul3A_232 : i32 to index
          %get3A_234 = tpu.vector_load %arg5[%get3A_233] {strides = array<i32>} : memref<4096xi32, #tpu.memory_space<vmem>>, vector<16xi32>,
          %ge3A_235 = vector.broadcast %xor3A_95 : i32 to vector<16xi32>
          %ge3A_236 = arith.cmpi sge, %get3A_234, %ge3A_235 : vector<16xi32>
          %convert_element_type3A_237 = arith.extui %ge3A_236 : vector<16xi1> to vector<16xi32>
          %add3A_238 = arith.addi %add3A_228, %convert_element_type3A_237 : vector<16xi32>
          %scan3A_239 = arith.constant 13 : i32
          %scan3A_240 = arith.addi %scan3A_111, %scan3A_239 : i32
          %mul3A_241 = arith.constant 16 : i32
          %mul3A_242 = arith.muli %scan3A_240, %mul3A_241 : i32
          %get3A_243 = arith.index_cast %mul3A_242 : i32 to index
          %get3A_244 = tpu.vector_load %arg5[%get3A_243] {strides = array<i32>} : memref<4096xi32, #tpu.memory_space<vmem>>, vector<16xi32>,
          %ge3A_245 = vector.broadcast %xor3A_95 : i32 to vector<16xi32>
          %ge3A_246 = arith.cmpi sge, %get3A_244, %ge3A_245 : vector<16xi32>
          %convert_element_type3A_247 = arith.extui %ge3A_246 : vector<16xi1> to vector<16xi32>
          %add3A_248 = arith.addi %add3A_238, %convert_element_type3A_247 : vector<16xi32>
          %scan3A_249 = arith.constant 14 : i32
          %scan3A_250 = arith.addi %scan3A_111, %scan3A_249 : i32
          %mul3A_251 = arith.constant 16 : i32
          %mul3A_252 = arith.muli %scan3A_250, %mul3A_251 : i32
          %get3A_253 = arith.index_cast %mul3A_252 : i32 to index
          %get3A_254 = tpu.vector_load %arg5[%get3A_253] {strides = array<i32>} : memref<4096xi32, #tpu.memory_space<vmem>>, vector<16xi32>,
          %ge3A_255 = vector.broadcast %xor3A_95 : i32 to vector<16xi32>
          %ge3A_256 = arith.cmpi sge, %get3A_254, %ge3A_255 : vector<16xi32>
          %convert_element_type3A_257 = arith.extui %ge3A_256 : vector<16xi1> to vector<16xi32>
          %add3A_258 = arith.addi %add3A_248, %convert_element_type3A_257 : vector<16xi32>
          %scan3A_259 = arith.constant 15 : i32
          %scan3A_260 = arith.addi %scan3A_111, %scan3A_259 : i32
          %mul3A_261 = arith.constant 16 : i32
          %mul3A_262 = arith.muli %scan3A_260, %mul3A_261 : i32
          %get3A_263 = arith.index_cast %mul3A_262 : i32 to index
          %get3A_264 = tpu.vector_load %arg5[%get3A_263] {strides = array<i32>} : memref<4096xi32, #tpu.memory_space<vmem>>, vector<16xi32>,
          %ge3A_265 = vector.broadcast %xor3A_95 : i32 to vector<16xi32>
          %ge3A_266 = arith.cmpi sge, %get3A_264, %ge3A_265 : vector<16xi32>
          %convert_element_type3A_267 = arith.extui %ge3A_266 : vector<16xi1> to vector<16xi32>
          %add3A_268 = arith.addi %add3A_258, %convert_element_type3A_267 : vector<16xi32>
          scf.yield %add3A_268 : vector<16xi32>
        }
        %scan3A_103 = arith.constant 256 : i32
        %reduce_sum3A_104 = arith.constant true
        %reduce_sum3A_105 = vector.broadcast %reduce_sum3A_104 : i1 to vector<16xi1>
        %reduce_sum3A_106 = tpu.scan <sum>, %scan3A_102 masked %reduce_sum3A_105 : vector<16xi32>, vector<16xi1> -> vector<16xi32>
        %reduce_sum3A_107 = vector.extract %reduce_sum3A_106[15] : i32 from vector<16xi32>
        %ge3A_108 = arith.constant 819 : i32
        %ge3A_109 = arith.cmpi sge, %reduce_sum3A_107, %ge3A_108 : i32
        %select_n3A_110 = arith.select %ge3A_109, %or3A, %while3A_88 : i32
        scf.yield %select_n3A_110 : i32
      }
      %while3A_63 = arith.constant 1 : i32
      %while3A_64 = scf.for %while3A_87 = %while3A_60 to %while3A_56 step %while3A_63 iter_args(%while3A_88 = %while3A_62) -> (i32)  : i32 {
        %sub3A_89 = arith.constant 1 : i32
        %sub3A_90 = arith.subi %select_n3A_43, %sub3A_89 : i32
        %sub3A_91 = arith.subi %sub3A_90, %while3A_87 : i32
        %shift_left3A_92 = arith.constant 1 : i32
        %shift_left3A_93 = arith.shli %shift_left3A_92, %sub3A_91 : i32
        %or3A = arith.ori %while3A_88, %shift_left3A_93 : i32
        %xor3A_94 = arith.constant -2147483648 : i32
        %xor3A_95 = arith.xori %or3A, %xor3A_94 : i32
        %broadcast_in_dim3A_96 = arith.constant 0 : i32
        %broadcast_in_dim3A_97 = vector.broadcast %broadcast_in_dim3A_96 : i32 to vector<16xi32>
        %scan3A_98 = arith.constant 0 : i32
        %scan3A_99 = arith.constant 256 : i32
        %scan3A_100 = arith.addi %scan3A_98, %scan3A_99 : i32
        %scan3A_101 = arith.constant 16 : i32
        %scan3A_102 = scf.for %scan3A_111 = %scan3A_98 to %scan3A_100 step %scan3A_101 iter_args(%scan3A_112 = %broadcast_in_dim3A_97) -> (vector<16xi32>)  : i32 {
          %mul3A = arith.constant 16 : i32
          %mul3A_113 = arith.muli %scan3A_111, %mul3A : i32
          %get3A = arith.index_cast %mul3A_113 : i32 to index
          %get3A_114 = tpu.vector_load %arg5[%get3A] {strides = array<i32>} : memref<4096xi32, #tpu.memory_space<vmem>>, vector<16xi32>,
          %ge3A_115 = vector.broadcast %xor3A_95 : i32 to vector<16xi32>
          %ge3A_116 = arith.cmpi sge, %get3A_114, %ge3A_115 : vector<16xi32>
          %convert_element_type3A_117 = arith.extui %ge3A_116 : vector<16xi1> to vector<16xi32>
          %add3A_118 = arith.addi %scan3A_112, %convert_element_type3A_117 : vector<16xi32>
          %scan3A_119 = arith.constant 1 : i32
          %scan3A_120 = arith.addi %scan3A_111, %scan3A_119 : i32
          %mul3A_121 = arith.constant 16 : i32
          %mul3A_122 = arith.muli %scan3A_120, %mul3A_121 : i32
          %get3A_123 = arith.index_cast %mul3A_122 : i32 to index
          %get3A_124 = tpu.vector_load %arg5[%get3A_123] {strides = array<i32>} : memref<4096xi32, #tpu.memory_space<vmem>>, vector<16xi32>,
          %ge3A_125 = vector.broadcast %xor3A_95 : i32 to vector<16xi32>
          %ge3A_126 = arith.cmpi sge, %get3A_124, %ge3A_125 : vector<16xi32>
          %convert_element_type3A_127 = arith.extui %ge3A_126 : vector<16xi1> to vector<16xi32>
          %add3A_128 = arith.addi %add3A_118, %convert_element_type3A_127 : vector<16xi32>
          %scan3A_129 = arith.constant 2 : i32
          %scan3A_130 = arith.addi %scan3A_111, %scan3A_129 : i32
          %mul3A_131 = arith.constant 16 : i32
          %mul3A_132 = arith.muli %scan3A_130, %mul3A_131 : i32
          %get3A_133 = arith.index_cast %mul3A_132 : i32 to index
          %get3A_134 = tpu.vector_load %arg5[%get3A_133] {strides = array<i32>} : memref<4096xi32, #tpu.memory_space<vmem>>, vector<16xi32>,
          %ge3A_135 = vector.broadcast %xor3A_95 : i32 to vector<16xi32>
          %ge3A_136 = arith.cmpi sge, %get3A_134, %ge3A_135 : vector<16xi32>
          %convert_element_type3A_137 = arith.extui %ge3A_136 : vector<16xi1> to vector<16xi32>
          %add3A_138 = arith.addi %add3A_128, %convert_element_type3A_137 : vector<16xi32>
          %scan3A_139 = arith.constant 3 : i32
          %scan3A_140 = arith.addi %scan3A_111, %scan3A_139 : i32
          %mul3A_141 = arith.constant 16 : i32
          %mul3A_142 = arith.muli %scan3A_140, %mul3A_141 : i32
          %get3A_143 = arith.index_cast %mul3A_142 : i32 to index
          %get3A_144 = tpu.vector_load %arg5[%get3A_143] {strides = array<i32>} : memref<4096xi32, #tpu.memory_space<vmem>>, vector<16xi32>,
          %ge3A_145 = vector.broadcast %xor3A_95 : i32 to vector<16xi32>
          %ge3A_146 = arith.cmpi sge, %get3A_144, %ge3A_145 : vector<16xi32>
          %convert_element_type3A_147 = arith.extui %ge3A_146 : vector<16xi1> to vector<16xi32>
          %add3A_148 = arith.addi %add3A_138, %convert_element_type3A_147 : vector<16xi32>
          %scan3A_149 = arith.constant 4 : i32
          %scan3A_150 = arith.addi %scan3A_111, %scan3A_149 : i32
          %mul3A_151 = arith.constant 16 : i32
          %mul3A_152 = arith.muli %scan3A_150, %mul3A_151 : i32
          %get3A_153 = arith.index_cast %mul3A_152 : i32 to index
          %get3A_154 = tpu.vector_load %arg5[%get3A_153] {strides = array<i32>} : memref<4096xi32, #tpu.memory_space<vmem>>, vector<16xi32>,
          %ge3A_155 = vector.broadcast %xor3A_95 : i32 to vector<16xi32>
          %ge3A_156 = arith.cmpi sge, %get3A_154, %ge3A_155 : vector<16xi32>
          %convert_element_type3A_157 = arith.extui %ge3A_156 : vector<16xi1> to vector<16xi32>
          %add3A_158 = arith.addi %add3A_148, %convert_element_type3A_157 : vector<16xi32>
          %scan3A_159 = arith.constant 5 : i32
          %scan3A_160 = arith.addi %scan3A_111, %scan3A_159 : i32
          %mul3A_161 = arith.constant 16 : i32
          %mul3A_162 = arith.muli %scan3A_160, %mul3A_161 : i32
          %get3A_163 = arith.index_cast %mul3A_162 : i32 to index
          %get3A_164 = tpu.vector_load %arg5[%get3A_163] {strides = array<i32>} : memref<4096xi32, #tpu.memory_space<vmem>>, vector<16xi32>,
          %ge3A_165 = vector.broadcast %xor3A_95 : i32 to vector<16xi32>
          %ge3A_166 = arith.cmpi sge, %get3A_164, %ge3A_165 : vector<16xi32>
          %convert_element_type3A_167 = arith.extui %ge3A_166 : vector<16xi1> to vector<16xi32>
          %add3A_168 = arith.addi %add3A_158, %convert_element_type3A_167 : vector<16xi32>
          %scan3A_169 = arith.constant 6 : i32
          %scan3A_170 = arith.addi %scan3A_111, %scan3A_169 : i32
          %mul3A_171 = arith.constant 16 : i32
          %mul3A_172 = arith.muli %scan3A_170, %mul3A_171 : i32
          %get3A_173 = arith.index_cast %mul3A_172 : i32 to index
          %get3A_174 = tpu.vector_load %arg5[%get3A_173] {strides = array<i32>} : memref<4096xi32, #tpu.memory_space<vmem>>, vector<16xi32>,
          %ge3A_175 = vector.broadcast %xor3A_95 : i32 to vector<16xi32>
          %ge3A_176 = arith.cmpi sge, %get3A_174, %ge3A_175 : vector<16xi32>
          %convert_element_type3A_177 = arith.extui %ge3A_176 : vector<16xi1> to vector<16xi32>
          %add3A_178 = arith.addi %add3A_168, %convert_element_type3A_177 : vector<16xi32>
          %scan3A_179 = arith.constant 7 : i32
          %scan3A_180 = arith.addi %scan3A_111, %scan3A_179 : i32
          %mul3A_181 = arith.constant 16 : i32
          %mul3A_182 = arith.muli %scan3A_180, %mul3A_181 : i32
          %get3A_183 = arith.index_cast %mul3A_182 : i32 to index
          %get3A_184 = tpu.vector_load %arg5[%get3A_183] {strides = array<i32>} : memref<4096xi32, #tpu.memory_space<vmem>>, vector<16xi32>,
          %ge3A_185 = vector.broadcast %xor3A_95 : i32 to vector<16xi32>
          %ge3A_186 = arith.cmpi sge, %get3A_184, %ge3A_185 : vector<16xi32>
          %convert_element_type3A_187 = arith.extui %ge3A_186 : vector<16xi1> to vector<16xi32>
          %add3A_188 = arith.addi %add3A_178, %convert_element_type3A_187 : vector<16xi32>
          %scan3A_189 = arith.constant 8 : i32
          %scan3A_190 = arith.addi %scan3A_111, %scan3A_189 : i32
          %mul3A_191 = arith.constant 16 : i32
          %mul3A_192 = arith.muli %scan3A_190, %mul3A_191 : i32
          %get3A_193 = arith.index_cast %mul3A_192 : i32 to index
          %get3A_194 = tpu.vector_load %arg5[%get3A_193] {strides = array<i32>} : memref<4096xi32, #tpu.memory_space<vmem>>, vector<16xi32>,
          %ge3A_195 = vector.broadcast %xor3A_95 : i32 to vector<16xi32>
          %ge3A_196 = arith.cmpi sge, %get3A_194, %ge3A_195 : vector<16xi32>
          %convert_element_type3A_197 = arith.extui %ge3A_196 : vector<16xi1> to vector<16xi32>
          %add3A_198 = arith.addi %add3A_188, %convert_element_type3A_197 : vector<16xi32>
          %scan3A_199 = arith.constant 9 : i32
          %scan3A_200 = arith.addi %scan3A_111, %scan3A_199 : i32
          %mul3A_201 = arith.constant 16 : i32
          %mul3A_202 = arith.muli %scan3A_200, %mul3A_201 : i32
          %get3A_203 = arith.index_cast %mul3A_202 : i32 to index
          %get3A_204 = tpu.vector_load %arg5[%get3A_203] {strides = array<i32>} : memref<4096xi32, #tpu.memory_space<vmem>>, vector<16xi32>,
          %ge3A_205 = vector.broadcast %xor3A_95 : i32 to vector<16xi32>
          %ge3A_206 = arith.cmpi sge, %get3A_204, %ge3A_205 : vector<16xi32>
          %convert_element_type3A_207 = arith.extui %ge3A_206 : vector<16xi1> to vector<16xi32>
          %add3A_208 = arith.addi %add3A_198, %convert_element_type3A_207 : vector<16xi32>
          %scan3A_209 = arith.constant 10 : i32
          %scan3A_210 = arith.addi %scan3A_111, %scan3A_209 : i32
          %mul3A_211 = arith.constant 16 : i32
          %mul3A_212 = arith.muli %scan3A_210, %mul3A_211 : i32
          %get3A_213 = arith.index_cast %mul3A_212 : i32 to index
          %get3A_214 = tpu.vector_load %arg5[%get3A_213] {strides = array<i32>} : memref<4096xi32, #tpu.memory_space<vmem>>, vector<16xi32>,
          %ge3A_215 = vector.broadcast %xor3A_95 : i32 to vector<16xi32>
          %ge3A_216 = arith.cmpi sge, %get3A_214, %ge3A_215 : vector<16xi32>
          %convert_element_type3A_217 = arith.extui %ge3A_216 : vector<16xi1> to vector<16xi32>
          %add3A_218 = arith.addi %add3A_208, %convert_element_type3A_217 : vector<16xi32>
          %scan3A_219 = arith.constant 11 : i32
          %scan3A_220 = arith.addi %scan3A_111, %scan3A_219 : i32
          %mul3A_221 = arith.constant 16 : i32
          %mul3A_222 = arith.muli %scan3A_220, %mul3A_221 : i32
          %get3A_223 = arith.index_cast %mul3A_222 : i32 to index
          %get3A_224 = tpu.vector_load %arg5[%get3A_223] {strides = array<i32>} : memref<4096xi32, #tpu.memory_space<vmem>>, vector<16xi32>,
          %ge3A_225 = vector.broadcast %xor3A_95 : i32 to vector<16xi32>
          %ge3A_226 = arith.cmpi sge, %get3A_224, %ge3A_225 : vector<16xi32>
          %convert_element_type3A_227 = arith.extui %ge3A_226 : vector<16xi1> to vector<16xi32>
          %add3A_228 = arith.addi %add3A_218, %convert_element_type3A_227 : vector<16xi32>
          %scan3A_229 = arith.constant 12 : i32
          %scan3A_230 = arith.addi %scan3A_111, %scan3A_229 : i32
          %mul3A_231 = arith.constant 16 : i32
          %mul3A_232 = arith.muli %scan3A_230, %mul3A_231 : i32
          %get3A_233 = arith.index_cast %mul3A_232 : i32 to index
          %get3A_234 = tpu.vector_load %arg5[%get3A_233] {strides = array<i32>} : memref<4096xi32, #tpu.memory_space<vmem>>, vector<16xi32>,
          %ge3A_235 = vector.broadcast %xor3A_95 : i32 to vector<16xi32>
          %ge3A_236 = arith.cmpi sge, %get3A_234, %ge3A_235 : vector<16xi32>
          %convert_element_type3A_237 = arith.extui %ge3A_236 : vector<16xi1> to vector<16xi32>
          %add3A_238 = arith.addi %add3A_228, %convert_element_type3A_237 : vector<16xi32>
          %scan3A_239 = arith.constant 13 : i32
          %scan3A_240 = arith.addi %scan3A_111, %scan3A_239 : i32
          %mul3A_241 = arith.constant 16 : i32
          %mul3A_242 = arith.muli %scan3A_240, %mul3A_241 : i32
          %get3A_243 = arith.index_cast %mul3A_242 : i32 to index
          %get3A_244 = tpu.vector_load %arg5[%get3A_243] {strides = array<i32>} : memref<4096xi32, #tpu.memory_space<vmem>>, vector<16xi32>,
          %ge3A_245 = vector.broadcast %xor3A_95 : i32 to vector<16xi32>
          %ge3A_246 = arith.cmpi sge, %get3A_244, %ge3A_245 : vector<16xi32>
          %convert_element_type3A_247 = arith.extui %ge3A_246 : vector<16xi1> to vector<16xi32>
          %add3A_248 = arith.addi %add3A_238, %convert_element_type3A_247 : vector<16xi32>
          %scan3A_249 = arith.constant 14 : i32
          %scan3A_250 = arith.addi %scan3A_111, %scan3A_249 : i32
          %mul3A_251 = arith.constant 16 : i32
          %mul3A_252 = arith.muli %scan3A_250, %mul3A_251 : i32
          %get3A_253 = arith.index_cast %mul3A_252 : i32 to index
          %get3A_254 = tpu.vector_load %arg5[%get3A_253] {strides = array<i32>} : memref<4096xi32, #tpu.memory_space<vmem>>, vector<16xi32>,
          %ge3A_255 = vector.broadcast %xor3A_95 : i32 to vector<16xi32>
          %ge3A_256 = arith.cmpi sge, %get3A_254, %ge3A_255 : vector<16xi32>
          %convert_element_type3A_257 = arith.extui %ge3A_256 : vector<16xi1> to vector<16xi32>
          %add3A_258 = arith.addi %add3A_248, %convert_element_type3A_257 : vector<16xi32>
          %scan3A_259 = arith.constant 15 : i32
          %scan3A_260 = arith.addi %scan3A_111, %scan3A_259 : i32
          %mul3A_261 = arith.constant 16 : i32
          %mul3A_262 = arith.muli %scan3A_260, %mul3A_261 : i32
          %get3A_263 = arith.index_cast %mul3A_262 : i32 to index
          %get3A_264 = tpu.vector_load %arg5[%get3A_263] {strides = array<i32>} : memref<4096xi32, #tpu.memory_space<vmem>>, vector<16xi32>,
          %ge3A_265 = vector.broadcast %xor3A_95 : i32 to vector<16xi32>
          %ge3A_266 = arith.cmpi sge, %get3A_264, %ge3A_265 : vector<16xi32>
          %convert_element_type3A_267 = arith.extui %ge3A_266 : vector<16xi1> to vector<16xi32>
          %add3A_268 = arith.addi %add3A_258, %convert_element_type3A_267 : vector<16xi32>
          scf.yield %add3A_268 : vector<16xi32>
        }
        %scan3A_103 = arith.constant 256 : i32
        %reduce_sum3A_104 = arith.constant true
        %reduce_sum3A_105 = vector.broadcast %reduce_sum3A_104 : i1 to vector<16xi1>
        %reduce_sum3A_106 = tpu.scan <sum>, %scan3A_102 masked %reduce_sum3A_105 : vector<16xi32>, vector<16xi1> -> vector<16xi32>
        %reduce_sum3A_107 = vector.extract %reduce_sum3A_106[15] : i32 from vector<16xi32>
        %ge3A_108 = arith.constant 819 : i32
        %ge3A_109 = arith.cmpi sge, %reduce_sum3A_107, %ge3A_108 : i32
        %select_n3A_110 = arith.select %ge3A_109, %or3A, %while3A_88 : i32
        scf.yield %select_n3A_110 : i32
      }
      %xor3A_65 = arith.constant -2147483648 : i32
      %xor3A_66 = arith.xori %while3A_64, %xor3A_65 : i32
      %broadcast_in_dim3A_67 = arith.constant 0 : i32
      %broadcast_in_dim3A_68 = vector.broadcast %broadcast_in_dim3A_67 : i32 to vector<16xi32>
      %scan3A_69 = arith.constant 0 : i32
      %scan3A_70 = arith.constant 256 : i32
      %scan3A_71 = arith.addi %scan3A_69, %scan3A_70 : i32
      %scan3A_72 = arith.constant 16 : i32
      %scan3A_73 = scf.for %scan3A_87 = %scan3A_69 to %scan3A_71 step %scan3A_72 iter_args(%scan3A_88 = %broadcast_in_dim3A_68) -> (vector<16xi32>)  : i32 {
        %mul3A = arith.constant 16 : i32
        %mul3A_89 = arith.muli %scan3A_87, %mul3A : i32
        %get3A = arith.index_cast %mul3A_89 : i32 to index
        %get3A_90 = tpu.vector_load %arg5[%get3A] {strides = array<i32>} : memref<4096xi32, #tpu.memory_space<vmem>>, vector<16xi32>,
        %gt3A = vector.broadcast %xor3A_66 : i32 to vector<16xi32>
        %gt3A_91 = arith.cmpi sgt, %get3A_90, %gt3A : vector<16xi32>
        %convert_element_type3A_92 = arith.extui %gt3A_91 : vector<16xi1> to vector<16xi32>
        %add3A_93 = arith.addi %scan3A_88, %convert_element_type3A_92 : vector<16xi32>
        %scan3A_94 = arith.constant 1 : i32
        %scan3A_95 = arith.addi %scan3A_87, %scan3A_94 : i32
        %mul3A_96 = arith.constant 16 : i32
        %mul3A_97 = arith.muli %scan3A_95, %mul3A_96 : i32
        %get3A_98 = arith.index_cast %mul3A_97 : i32 to index
        %get3A_99 = tpu.vector_load %arg5[%get3A_98] {strides = array<i32>} : memref<4096xi32, #tpu.memory_space<vmem>>, vector<16xi32>,
        %gt3A_100 = vector.broadcast %xor3A_66 : i32 to vector<16xi32>
        %gt3A_101 = arith.cmpi sgt, %get3A_99, %gt3A_100 : vector<16xi32>
        %convert_element_type3A_102 = arith.extui %gt3A_101 : vector<16xi1> to vector<16xi32>
        %add3A_103 = arith.addi %add3A_93, %convert_element_type3A_102 : vector<16xi32>
        %scan3A_104 = arith.constant 2 : i32
        %scan3A_105 = arith.addi %scan3A_87, %scan3A_104 : i32
        %mul3A_106 = arith.constant 16 : i32
        %mul3A_107 = arith.muli %scan3A_105, %mul3A_106 : i32
        %get3A_108 = arith.index_cast %mul3A_107 : i32 to index
        %get3A_109 = tpu.vector_load %arg5[%get3A_108] {strides = array<i32>} : memref<4096xi32, #tpu.memory_space<vmem>>, vector<16xi32>,
        %gt3A_110 = vector.broadcast %xor3A_66 : i32 to vector<16xi32>
        %gt3A_111 = arith.cmpi sgt, %get3A_109, %gt3A_110 : vector<16xi32>
        %convert_element_type3A_112 = arith.extui %gt3A_111 : vector<16xi1> to vector<16xi32>
        %add3A_113 = arith.addi %add3A_103, %convert_element_type3A_112 : vector<16xi32>
        %scan3A_114 = arith.constant 3 : i32
        %scan3A_115 = arith.addi %scan3A_87, %scan3A_114 : i32
        %mul3A_116 = arith.constant 16 : i32
        %mul3A_117 = arith.muli %scan3A_115, %mul3A_116 : i32
        %get3A_118 = arith.index_cast %mul3A_117 : i32 to index
        %get3A_119 = tpu.vector_load %arg5[%get3A_118] {strides = array<i32>} : memref<4096xi32, #tpu.memory_space<vmem>>, vector<16xi32>,
        %gt3A_120 = vector.broadcast %xor3A_66 : i32 to vector<16xi32>
        %gt3A_121 = arith.cmpi sgt, %get3A_119, %gt3A_120 : vector<16xi32>
        %convert_element_type3A_122 = arith.extui %gt3A_121 : vector<16xi1> to vector<16xi32>
        %add3A_123 = arith.addi %add3A_113, %convert_element_type3A_122 : vector<16xi32>
        %scan3A_124 = arith.constant 4 : i32
        %scan3A_125 = arith.addi %scan3A_87, %scan3A_124 : i32
        %mul3A_126 = arith.constant 16 : i32
        %mul3A_127 = arith.muli %scan3A_125, %mul3A_126 : i32
        %get3A_128 = arith.index_cast %mul3A_127 : i32 to index
        %get3A_129 = tpu.vector_load %arg5[%get3A_128] {strides = array<i32>} : memref<4096xi32, #tpu.memory_space<vmem>>, vector<16xi32>,
        %gt3A_130 = vector.broadcast %xor3A_66 : i32 to vector<16xi32>
        %gt3A_131 = arith.cmpi sgt, %get3A_129, %gt3A_130 : vector<16xi32>
        %convert_element_type3A_132 = arith.extui %gt3A_131 : vector<16xi1> to vector<16xi32>
        %add3A_133 = arith.addi %add3A_123, %convert_element_type3A_132 : vector<16xi32>
        %scan3A_134 = arith.constant 5 : i32
        %scan3A_135 = arith.addi %scan3A_87, %scan3A_134 : i32
        %mul3A_136 = arith.constant 16 : i32
        %mul3A_137 = arith.muli %scan3A_135, %mul3A_136 : i32
        %get3A_138 = arith.index_cast %mul3A_137 : i32 to index
        %get3A_139 = tpu.vector_load %arg5[%get3A_138] {strides = array<i32>} : memref<4096xi32, #tpu.memory_space<vmem>>, vector<16xi32>,
        %gt3A_140 = vector.broadcast %xor3A_66 : i32 to vector<16xi32>
        %gt3A_141 = arith.cmpi sgt, %get3A_139, %gt3A_140 : vector<16xi32>
        %convert_element_type3A_142 = arith.extui %gt3A_141 : vector<16xi1> to vector<16xi32>
        %add3A_143 = arith.addi %add3A_133, %convert_element_type3A_142 : vector<16xi32>
        %scan3A_144 = arith.constant 6 : i32
        %scan3A_145 = arith.addi %scan3A_87, %scan3A_144 : i32
        %mul3A_146 = arith.constant 16 : i32
        %mul3A_147 = arith.muli %scan3A_145, %mul3A_146 : i32
        %get3A_148 = arith.index_cast %mul3A_147 : i32 to index
        %get3A_149 = tpu.vector_load %arg5[%get3A_148] {strides = array<i32>} : memref<4096xi32, #tpu.memory_space<vmem>>, vector<16xi32>,
        %gt3A_150 = vector.broadcast %xor3A_66 : i32 to vector<16xi32>
        %gt3A_151 = arith.cmpi sgt, %get3A_149, %gt3A_150 : vector<16xi32>
        %convert_element_type3A_152 = arith.extui %gt3A_151 : vector<16xi1> to vector<16xi32>
        %add3A_153 = arith.addi %add3A_143, %convert_element_type3A_152 : vector<16xi32>
        %scan3A_154 = arith.constant 7 : i32
        %scan3A_155 = arith.addi %scan3A_87, %scan3A_154 : i32
        %mul3A_156 = arith.constant 16 : i32
        %mul3A_157 = arith.muli %scan3A_155, %mul3A_156 : i32
        %get3A_158 = arith.index_cast %mul3A_157 : i32 to index
        %get3A_159 = tpu.vector_load %arg5[%get3A_158] {strides = array<i32>} : memref<4096xi32, #tpu.memory_space<vmem>>, vector<16xi32>,
        %gt3A_160 = vector.broadcast %xor3A_66 : i32 to vector<16xi32>
        %gt3A_161 = arith.cmpi sgt, %get3A_159, %gt3A_160 : vector<16xi32>
        %convert_element_type3A_162 = arith.extui %gt3A_161 : vector<16xi1> to vector<16xi32>
        %add3A_163 = arith.addi %add3A_153, %convert_element_type3A_162 : vector<16xi32>
        %scan3A_164 = arith.constant 8 : i32
        %scan3A_165 = arith.addi %scan3A_87, %scan3A_164 : i32
        %mul3A_166 = arith.constant 16 : i32
        %mul3A_167 = arith.muli %scan3A_165, %mul3A_166 : i32
        %get3A_168 = arith.index_cast %mul3A_167 : i32 to index
        %get3A_169 = tpu.vector_load %arg5[%get3A_168] {strides = array<i32>} : memref<4096xi32, #tpu.memory_space<vmem>>, vector<16xi32>,
        %gt3A_170 = vector.broadcast %xor3A_66 : i32 to vector<16xi32>
        %gt3A_171 = arith.cmpi sgt, %get3A_169, %gt3A_170 : vector<16xi32>
        %convert_element_type3A_172 = arith.extui %gt3A_171 : vector<16xi1> to vector<16xi32>
        %add3A_173 = arith.addi %add3A_163, %convert_element_type3A_172 : vector<16xi32>
        %scan3A_174 = arith.constant 9 : i32
        %scan3A_175 = arith.addi %scan3A_87, %scan3A_174 : i32
        %mul3A_176 = arith.constant 16 : i32
        %mul3A_177 = arith.muli %scan3A_175, %mul3A_176 : i32
        %get3A_178 = arith.index_cast %mul3A_177 : i32 to index
        %get3A_179 = tpu.vector_load %arg5[%get3A_178] {strides = array<i32>} : memref<4096xi32, #tpu.memory_space<vmem>>, vector<16xi32>,
        %gt3A_180 = vector.broadcast %xor3A_66 : i32 to vector<16xi32>
        %gt3A_181 = arith.cmpi sgt, %get3A_179, %gt3A_180 : vector<16xi32>
        %convert_element_type3A_182 = arith.extui %gt3A_181 : vector<16xi1> to vector<16xi32>
        %add3A_183 = arith.addi %add3A_173, %convert_element_type3A_182 : vector<16xi32>
        %scan3A_184 = arith.constant 10 : i32
        %scan3A_185 = arith.addi %scan3A_87, %scan3A_184 : i32
        %mul3A_186 = arith.constant 16 : i32
        %mul3A_187 = arith.muli %scan3A_185, %mul3A_186 : i32
        %get3A_188 = arith.index_cast %mul3A_187 : i32 to index
        %get3A_189 = tpu.vector_load %arg5[%get3A_188] {strides = array<i32>} : memref<4096xi32, #tpu.memory_space<vmem>>, vector<16xi32>,
        %gt3A_190 = vector.broadcast %xor3A_66 : i32 to vector<16xi32>
        %gt3A_191 = arith.cmpi sgt, %get3A_189, %gt3A_190 : vector<16xi32>
        %convert_element_type3A_192 = arith.extui %gt3A_191 : vector<16xi1> to vector<16xi32>
        %add3A_193 = arith.addi %add3A_183, %convert_element_type3A_192 : vector<16xi32>
        %scan3A_194 = arith.constant 11 : i32
        %scan3A_195 = arith.addi %scan3A_87, %scan3A_194 : i32
        %mul3A_196 = arith.constant 16 : i32
        %mul3A_197 = arith.muli %scan3A_195, %mul3A_196 : i32
        %get3A_198 = arith.index_cast %mul3A_197 : i32 to index
        %get3A_199 = tpu.vector_load %arg5[%get3A_198] {strides = array<i32>} : memref<4096xi32, #tpu.memory_space<vmem>>, vector<16xi32>,
        %gt3A_200 = vector.broadcast %xor3A_66 : i32 to vector<16xi32>
        %gt3A_201 = arith.cmpi sgt, %get3A_199, %gt3A_200 : vector<16xi32>
        %convert_element_type3A_202 = arith.extui %gt3A_201 : vector<16xi1> to vector<16xi32>
        %add3A_203 = arith.addi %add3A_193, %convert_element_type3A_202 : vector<16xi32>
        %scan3A_204 = arith.constant 12 : i32
        %scan3A_205 = arith.addi %scan3A_87, %scan3A_204 : i32
        %mul3A_206 = arith.constant 16 : i32
        %mul3A_207 = arith.muli %scan3A_205, %mul3A_206 : i32
        %get3A_208 = arith.index_cast %mul3A_207 : i32 to index
        %get3A_209 = tpu.vector_load %arg5[%get3A_208] {strides = array<i32>} : memref<4096xi32, #tpu.memory_space<vmem>>, vector<16xi32>,
        %gt3A_210 = vector.broadcast %xor3A_66 : i32 to vector<16xi32>
        %gt3A_211 = arith.cmpi sgt, %get3A_209, %gt3A_210 : vector<16xi32>
        %convert_element_type3A_212 = arith.extui %gt3A_211 : vector<16xi1> to vector<16xi32>
        %add3A_213 = arith.addi %add3A_203, %convert_element_type3A_212 : vector<16xi32>
        %scan3A_214 = arith.constant 13 : i32
        %scan3A_215 = arith.addi %scan3A_87, %scan3A_214 : i32
        %mul3A_216 = arith.constant 16 : i32
        %mul3A_217 = arith.muli %scan3A_215, %mul3A_216 : i32
        %get3A_218 = arith.index_cast %mul3A_217 : i32 to index
        %get3A_219 = tpu.vector_load %arg5[%get3A_218] {strides = array<i32>} : memref<4096xi32, #tpu.memory_space<vmem>>, vector<16xi32>,
        %gt3A_220 = vector.broadcast %xor3A_66 : i32 to vector<16xi32>
        %gt3A_221 = arith.cmpi sgt, %get3A_219, %gt3A_220 : vector<16xi32>
        %convert_element_type3A_222 = arith.extui %gt3A_221 : vector<16xi1> to vector<16xi32>
        %add3A_223 = arith.addi %add3A_213, %convert_element_type3A_222 : vector<16xi32>
        %scan3A_224 = arith.constant 14 : i32
        %scan3A_225 = arith.addi %scan3A_87, %scan3A_224 : i32
        %mul3A_226 = arith.constant 16 : i32
        %mul3A_227 = arith.muli %scan3A_225, %mul3A_226 : i32
        %get3A_228 = arith.index_cast %mul3A_227 : i32 to index
        %get3A_229 = tpu.vector_load %arg5[%get3A_228] {strides = array<i32>} : memref<4096xi32, #tpu.memory_space<vmem>>, vector<16xi32>,
        %gt3A_230 = vector.broadcast %xor3A_66 : i32 to vector<16xi32>
        %gt3A_231 = arith.cmpi sgt, %get3A_229, %gt3A_230 : vector<16xi32>
        %convert_element_type3A_232 = arith.extui %gt3A_231 : vector<16xi1> to vector<16xi32>
        %add3A_233 = arith.addi %add3A_223, %convert_element_type3A_232 : vector<16xi32>
        %scan3A_234 = arith.constant 15 : i32
        %scan3A_235 = arith.addi %scan3A_87, %scan3A_234 : i32
        %mul3A_236 = arith.constant 16 : i32
        %mul3A_237 = arith.muli %scan3A_235, %mul3A_236 : i32
        %get3A_238 = arith.index_cast %mul3A_237 : i32 to index
        %get3A_239 = tpu.vector_load %arg5[%get3A_238] {strides = array<i32>} : memref<4096xi32, #tpu.memory_space<vmem>>, vector<16xi32>,
        %gt3A_240 = vector.broadcast %xor3A_66 : i32 to vector<16xi32>
        %gt3A_241 = arith.cmpi sgt, %get3A_239, %gt3A_240 : vector<16xi32>
        %convert_element_type3A_242 = arith.extui %gt3A_241 : vector<16xi1> to vector<16xi32>
        %add3A_243 = arith.addi %add3A_233, %convert_element_type3A_242 : vector<16xi32>
        scf.yield %add3A_243 : vector<16xi32>
      }
      %scan3A_74 = arith.constant 256 : i32
      %reduce_sum3A = arith.constant true
      %reduce_sum3A_75 = vector.broadcast %reduce_sum3A : i1 to vector<16xi1>
      %reduce_sum3A_76 = tpu.scan <sum>, %scan3A_73 masked %reduce_sum3A_75 : vector<16xi32>, vector<16xi1> -> vector<16xi32>
      %reduce_sum3A_77 = vector.extract %reduce_sum3A_76[15] : i32 from vector<16xi32>
      %sub3A_78 = arith.constant 819 : i32
      %sub3A_79 = arith.subi %sub3A_78, %reduce_sum3A_77 : i32
      %scan3A_80 = arith.constant 0 : i32
      %scan3A_81 = arith.constant 0 : i32
      %scan3A_82 = arith.constant 256 : i32
      %scan3A_83 = arith.addi %scan3A_81, %scan3A_82 : i32
      %scan3A_84 = arith.constant 8 : i32
      %scan3A_85 = scf.for %scan3A_87 = %scan3A_81 to %scan3A_83 step %scan3A_84 iter_args(%scan3A_88 = %scan3A_80) -> (i32)  : i32 {
        %mul3A = arith.constant 16 : i32
        %mul3A_89 = arith.muli %scan3A_87, %mul3A : i32
        %get3A = arith.index_cast %mul3A_89 : i32 to index
        %get3A_90 = tpu.vector_load %arg5[%get3A] {strides = array<i32>} : memref<4096xi32, #tpu.memory_space<vmem>>, vector<16xi32>,
        %gt3A = vector.broadcast %xor3A_66 : i32 to vector<16xi32>
        %gt3A_91 = arith.cmpi sgt, %get3A_90, %gt3A : vector<16xi32>
        %eq3A_92 = vector.broadcast %xor3A_66 : i32 to vector<16xi32>
        %eq3A_93 = arith.cmpi eq, %get3A_90, %eq3A_92 : vector<16xi32>
        %convert_element_type3A_94 = arith.extui %eq3A_93 : vector<16xi1> to vector<16xi32>
        %cumsum3A = arith.constant true
        %cumsum3A_95 = vector.broadcast %cumsum3A : i1 to vector<16xi1>
        %cumsum3A_96 = tpu.scan <sum>, %convert_element_type3A_94 masked %cumsum3A_95 : vector<16xi32>, vector<16xi1> -> vector<16xi32>
        %add3A_97 = vector.broadcast %scan3A_88 : i32 to vector<16xi32>
        %add3A_98 = arith.addi %add3A_97, %cumsum3A_96 : vector<16xi32>
        %sub3A_99 = arith.subi %add3A_98, %convert_element_type3A_94 : vector<16xi32>
        %lt3A_100 = vector.broadcast %sub3A_79 : i32 to vector<16xi32>
        %lt3A_101 = arith.cmpi slt, %sub3A_99, %lt3A_100 : vector<16xi32>
        %and3A_102 = arith.andi %eq3A_93, %lt3A_101 : vector<16xi1>
        %or3A = arith.ori %gt3A_91, %and3A_102 : vector<16xi1>
        %jit3A_103 = arith.constant 1.000000e+00 : f32
        %jit3A_104 = arith.constant 0.000000e+00 : f32
        %broadcast_in_dim3A_105 = vector.broadcast %jit3A_103 : f32 to vector<16xf32>
        %broadcast_in_dim3A_106 = vector.broadcast %jit3A_104 : f32 to vector<16xf32>
        %select_n3A_107 = arith.select %or3A, %broadcast_in_dim3A_105, %broadcast_in_dim3A_106 : vector<16xi1>, vector<16xf32>
        %mul3A_108 = arith.constant 16 : i32
        %mul3A_109 = arith.muli %scan3A_87, %mul3A_108 : i32
        %swap3A = arith.index_cast %mul3A_109 : i32 to index
        %swap3A_110 = tpu.vector_load %arg6[%swap3A] {strides = array<i32>} : memref<4096xf32, #tpu.memory_space<vmem>>, vector<16xf32>,
        tpu.vector_store %arg6[%swap3A], %select_n3A_107 {strides = array<i32>} : memref<4096xf32, #tpu.memory_space<vmem>>, vector<16xf32>,
        %reduce_sum3A_111 = arith.constant true
        %reduce_sum3A_112 = vector.broadcast %reduce_sum3A_111 : i1 to vector<16xi1>
        %reduce_sum3A_113 = tpu.scan <sum>, %convert_element_type3A_94 masked %reduce_sum3A_112 : vector<16xi32>, vector<16xi1> -> vector<16xi32>
        %reduce_sum3A_114 = vector.extract %reduce_sum3A_113[15] : i32 from vector<16xi32>
        %add3A_115 = arith.addi %scan3A_88, %reduce_sum3A_114 : i32
        %scan3A_116 = arith.constant 1 : i32
        %scan3A_117 = arith.addi %scan3A_87, %scan3A_116 : i32
        %mul3A_118 = arith.constant 16 : i32
        %mul3A_119 = arith.muli %scan3A_117, %mul3A_118 : i32
        %get3A_120 = arith.index_cast %mul3A_119 : i32 to index
        %get3A_121 = tpu.vector_load %arg5[%get3A_120] {strides = array<i32>} : memref<4096xi32, #tpu.memory_space<vmem>>, vector<16xi32>,
        %gt3A_122 = vector.broadcast %xor3A_66 : i32 to vector<16xi32>
        %gt3A_123 = arith.cmpi sgt, %get3A_121, %gt3A_122 : vector<16xi32>
        %eq3A_124 = vector.broadcast %xor3A_66 : i32 to vector<16xi32>
        %eq3A_125 = arith.cmpi eq, %get3A_121, %eq3A_124 : vector<16xi32>
        %convert_element_type3A_126 = arith.extui %eq3A_125 : vector<16xi1> to vector<16xi32>
        %cumsum3A_127 = arith.constant true
        %cumsum3A_128 = vector.broadcast %cumsum3A_127 : i1 to vector<16xi1>
        %cumsum3A_129 = tpu.scan <sum>, %convert_element_type3A_126 masked %cumsum3A_128 : vector<16xi32>, vector<16xi1> -> vector<16xi32>
        %add3A_130 = vector.broadcast %add3A_115 : i32 to vector<16xi32>
        %add3A_131 = arith.addi %add3A_130, %cumsum3A_129 : vector<16xi32>
        %sub3A_132 = arith.subi %add3A_131, %convert_element_type3A_126 : vector<16xi32>
        %lt3A_133 = vector.broadcast %sub3A_79 : i32 to vector<16xi32>
        %lt3A_134 = arith.cmpi slt, %sub3A_132, %lt3A_133 : vector<16xi32>
        %and3A_135 = arith.andi %eq3A_125, %lt3A_134 : vector<16xi1>
        %or3A_136 = arith.ori %gt3A_123, %and3A_135 : vector<16xi1>
        %jit3A_137 = arith.constant 1.000000e+00 : f32
        %jit3A_138 = arith.constant 0.000000e+00 : f32
        %broadcast_in_dim3A_139 = vector.broadcast %jit3A_137 : f32 to vector<16xf32>
        %broadcast_in_dim3A_140 = vector.broadcast %jit3A_138 : f32 to vector<16xf32>
        %select_n3A_141 = arith.select %or3A_136, %broadcast_in_dim3A_139, %broadcast_in_dim3A_140 : vector<16xi1>, vector<16xf32>
        %mul3A_142 = arith.constant 16 : i32
        %mul3A_143 = arith.muli %scan3A_117, %mul3A_142 : i32
        %swap3A_144 = arith.index_cast %mul3A_143 : i32 to index
        %swap3A_145 = tpu.vector_load %arg6[%swap3A_144] {strides = array<i32>} : memref<4096xf32, #tpu.memory_space<vmem>>, vector<16xf32>,
        tpu.vector_store %arg6[%swap3A_144], %select_n3A_141 {strides = array<i32>} : memref<4096xf32, #tpu.memory_space<vmem>>, vector<16xf32>,
        %reduce_sum3A_146 = arith.constant true
        %reduce_sum3A_147 = vector.broadcast %reduce_sum3A_146 : i1 to vector<16xi1>
        %reduce_sum3A_148 = tpu.scan <sum>, %convert_element_type3A_126 masked %reduce_sum3A_147 : vector<16xi32>, vector<16xi1> -> vector<16xi32>
        %reduce_sum3A_149 = vector.extract %reduce_sum3A_148[15] : i32 from vector<16xi32>
        %add3A_150 = arith.addi %add3A_115, %reduce_sum3A_149 : i32
        %scan3A_151 = arith.constant 2 : i32
        %scan3A_152 = arith.addi %scan3A_87, %scan3A_151 : i32
        %mul3A_153 = arith.constant 16 : i32
        %mul3A_154 = arith.muli %scan3A_152, %mul3A_153 : i32
        %get3A_155 = arith.index_cast %mul3A_154 : i32 to index
        %get3A_156 = tpu.vector_load %arg5[%get3A_155] {strides = array<i32>} : memref<4096xi32, #tpu.memory_space<vmem>>, vector<16xi32>,
        %gt3A_157 = vector.broadcast %xor3A_66 : i32 to vector<16xi32>
        %gt3A_158 = arith.cmpi sgt, %get3A_156, %gt3A_157 : vector<16xi32>
        %eq3A_159 = vector.broadcast %xor3A_66 : i32 to vector<16xi32>
        %eq3A_160 = arith.cmpi eq, %get3A_156, %eq3A_159 : vector<16xi32>
        %convert_element_type3A_161 = arith.extui %eq3A_160 : vector<16xi1> to vector<16xi32>
        %cumsum3A_162 = arith.constant true
        %cumsum3A_163 = vector.broadcast %cumsum3A_162 : i1 to vector<16xi1>
        %cumsum3A_164 = tpu.scan <sum>, %convert_element_type3A_161 masked %cumsum3A_163 : vector<16xi32>, vector<16xi1> -> vector<16xi32>
        %add3A_165 = vector.broadcast %add3A_150 : i32 to vector<16xi32>
        %add3A_166 = arith.addi %add3A_165, %cumsum3A_164 : vector<16xi32>
        %sub3A_167 = arith.subi %add3A_166, %convert_element_type3A_161 : vector<16xi32>
        %lt3A_168 = vector.broadcast %sub3A_79 : i32 to vector<16xi32>
        %lt3A_169 = arith.cmpi slt, %sub3A_167, %lt3A_168 : vector<16xi32>
        %and3A_170 = arith.andi %eq3A_160, %lt3A_169 : vector<16xi1>
        %or3A_171 = arith.ori %gt3A_158, %and3A_170 : vector<16xi1>
        %jit3A_172 = arith.constant 1.000000e+00 : f32
        %jit3A_173 = arith.constant 0.000000e+00 : f32
        %broadcast_in_dim3A_174 = vector.broadcast %jit3A_172 : f32 to vector<16xf32>
        %broadcast_in_dim3A_175 = vector.broadcast %jit3A_173 : f32 to vector<16xf32>
        %select_n3A_176 = arith.select %or3A_171, %broadcast_in_dim3A_174, %broadcast_in_dim3A_175 : vector<16xi1>, vector<16xf32>
        %mul3A_177 = arith.constant 16 : i32
        %mul3A_178 = arith.muli %scan3A_152, %mul3A_177 : i32
        %swap3A_179 = arith.index_cast %mul3A_178 : i32 to index
        %swap3A_180 = tpu.vector_load %arg6[%swap3A_179] {strides = array<i32>} : memref<4096xf32, #tpu.memory_space<vmem>>, vector<16xf32>,
        tpu.vector_store %arg6[%swap3A_179], %select_n3A_176 {strides = array<i32>} : memref<4096xf32, #tpu.memory_space<vmem>>, vector<16xf32>,
        %reduce_sum3A_181 = arith.constant true
        %reduce_sum3A_182 = vector.broadcast %reduce_sum3A_181 : i1 to vector<16xi1>
        %reduce_sum3A_183 = tpu.scan <sum>, %convert_element_type3A_161 masked %reduce_sum3A_182 : vector<16xi32>, vector<16xi1> -> vector<16xi32>
        %reduce_sum3A_184 = vector.extract %reduce_sum3A_183[15] : i32 from vector<16xi32>
        %add3A_185 = arith.addi %add3A_150, %reduce_sum3A_184 : i32
        %scan3A_186 = arith.constant 3 : i32
        %scan3A_187 = arith.addi %scan3A_87, %scan3A_186 : i32
        %mul3A_188 = arith.constant 16 : i32
        %mul3A_189 = arith.muli %scan3A_187, %mul3A_188 : i32
        %get3A_190 = arith.index_cast %mul3A_189 : i32 to index
        %get3A_191 = tpu.vector_load %arg5[%get3A_190] {strides = array<i32>} : memref<4096xi32, #tpu.memory_space<vmem>>, vector<16xi32>,
        %gt3A_192 = vector.broadcast %xor3A_66 : i32 to vector<16xi32>
        %gt3A_193 = arith.cmpi sgt, %get3A_191, %gt3A_192 : vector<16xi32>
        %eq3A_194 = vector.broadcast %xor3A_66 : i32 to vector<16xi32>
        %eq3A_195 = arith.cmpi eq, %get3A_191, %eq3A_194 : vector<16xi32>
        %convert_element_type3A_196 = arith.extui %eq3A_195 : vector<16xi1> to vector<16xi32>
        %cumsum3A_197 = arith.constant true
        %cumsum3A_198 = vector.broadcast %cumsum3A_197 : i1 to vector<16xi1>
        %cumsum3A_199 = tpu.scan <sum>, %convert_element_type3A_196 masked %cumsum3A_198 : vector<16xi32>, vector<16xi1> -> vector<16xi32>
        %add3A_200 = vector.broadcast %add3A_185 : i32 to vector<16xi32>
        %add3A_201 = arith.addi %add3A_200, %cumsum3A_199 : vector<16xi32>
        %sub3A_202 = arith.subi %add3A_201, %convert_element_type3A_196 : vector<16xi32>
        %lt3A_203 = vector.broadcast %sub3A_79 : i32 to vector<16xi32>
        %lt3A_204 = arith.cmpi slt, %sub3A_202, %lt3A_203 : vector<16xi32>
        %and3A_205 = arith.andi %eq3A_195, %lt3A_204 : vector<16xi1>
        %or3A_206 = arith.ori %gt3A_193, %and3A_205 : vector<16xi1>
        %jit3A_207 = arith.constant 1.000000e+00 : f32
        %jit3A_208 = arith.constant 0.000000e+00 : f32
        %broadcast_in_dim3A_209 = vector.broadcast %jit3A_207 : f32 to vector<16xf32>
        %broadcast_in_dim3A_210 = vector.broadcast %jit3A_208 : f32 to vector<16xf32>
        %select_n3A_211 = arith.select %or3A_206, %broadcast_in_dim3A_209, %broadcast_in_dim3A_210 : vector<16xi1>, vector<16xf32>
        %mul3A_212 = arith.constant 16 : i32
        %mul3A_213 = arith.muli %scan3A_187, %mul3A_212 : i32
        %swap3A_214 = arith.index_cast %mul3A_213 : i32 to index
        %swap3A_215 = tpu.vector_load %arg6[%swap3A_214] {strides = array<i32>} : memref<4096xf32, #tpu.memory_space<vmem>>, vector<16xf32>,
        tpu.vector_store %arg6[%swap3A_214], %select_n3A_211 {strides = array<i32>} : memref<4096xf32, #tpu.memory_space<vmem>>, vector<16xf32>,
        %reduce_sum3A_216 = arith.constant true
        %reduce_sum3A_217 = vector.broadcast %reduce_sum3A_216 : i1 to vector<16xi1>
        %reduce_sum3A_218 = tpu.scan <sum>, %convert_element_type3A_196 masked %reduce_sum3A_217 : vector<16xi32>, vector<16xi1> -> vector<16xi32>
        %reduce_sum3A_219 = vector.extract %reduce_sum3A_218[15] : i32 from vector<16xi32>
        %add3A_220 = arith.addi %add3A_185, %reduce_sum3A_219 : i32
        %scan3A_221 = arith.constant 4 : i32
        %scan3A_222 = arith.addi %scan3A_87, %scan3A_221 : i32
        %mul3A_223 = arith.constant 16 : i32
        %mul3A_224 = arith.muli %scan3A_222, %mul3A_223 : i32
        %get3A_225 = arith.index_cast %mul3A_224 : i32 to index
        %get3A_226 = tpu.vector_load %arg5[%get3A_225] {strides = array<i32>} : memref<4096xi32, #tpu.memory_space<vmem>>, vector<16xi32>,
        %gt3A_227 = vector.broadcast %xor3A_66 : i32 to vector<16xi32>
        %gt3A_228 = arith.cmpi sgt, %get3A_226, %gt3A_227 : vector<16xi32>
        %eq3A_229 = vector.broadcast %xor3A_66 : i32 to vector<16xi32>
        %eq3A_230 = arith.cmpi eq, %get3A_226, %eq3A_229 : vector<16xi32>
        %convert_element_type3A_231 = arith.extui %eq3A_230 : vector<16xi1> to vector<16xi32>
        %cumsum3A_232 = arith.constant true
        %cumsum3A_233 = vector.broadcast %cumsum3A_232 : i1 to vector<16xi1>
        %cumsum3A_234 = tpu.scan <sum>, %convert_element_type3A_231 masked %cumsum3A_233 : vector<16xi32>, vector<16xi1> -> vector<16xi32>
        %add3A_235 = vector.broadcast %add3A_220 : i32 to vector<16xi32>
        %add3A_236 = arith.addi %add3A_235, %cumsum3A_234 : vector<16xi32>
        %sub3A_237 = arith.subi %add3A_236, %convert_element_type3A_231 : vector<16xi32>
        %lt3A_238 = vector.broadcast %sub3A_79 : i32 to vector<16xi32>
        %lt3A_239 = arith.cmpi slt, %sub3A_237, %lt3A_238 : vector<16xi32>
        %and3A_240 = arith.andi %eq3A_230, %lt3A_239 : vector<16xi1>
        %or3A_241 = arith.ori %gt3A_228, %and3A_240 : vector<16xi1>
        %jit3A_242 = arith.constant 1.000000e+00 : f32
        %jit3A_243 = arith.constant 0.000000e+00 : f32
        %broadcast_in_dim3A_244 = vector.broadcast %jit3A_242 : f32 to vector<16xf32>
        %broadcast_in_dim3A_245 = vector.broadcast %jit3A_243 : f32 to vector<16xf32>
        %select_n3A_246 = arith.select %or3A_241, %broadcast_in_dim3A_244, %broadcast_in_dim3A_245 : vector<16xi1>, vector<16xf32>
        %mul3A_247 = arith.constant 16 : i32
        %mul3A_248 = arith.muli %scan3A_222, %mul3A_247 : i32
        %swap3A_249 = arith.index_cast %mul3A_248 : i32 to index
        %swap3A_250 = tpu.vector_load %arg6[%swap3A_249] {strides = array<i32>} : memref<4096xf32, #tpu.memory_space<vmem>>, vector<16xf32>,
        tpu.vector_store %arg6[%swap3A_249], %select_n3A_246 {strides = array<i32>} : memref<4096xf32, #tpu.memory_space<vmem>>, vector<16xf32>,
        %reduce_sum3A_251 = arith.constant true
        %reduce_sum3A_252 = vector.broadcast %reduce_sum3A_251 : i1 to vector<16xi1>
        %reduce_sum3A_253 = tpu.scan <sum>, %convert_element_type3A_231 masked %reduce_sum3A_252 : vector<16xi32>, vector<16xi1> -> vector<16xi32>
        %reduce_sum3A_254 = vector.extract %reduce_sum3A_253[15] : i32 from vector<16xi32>
        %add3A_255 = arith.addi %add3A_220, %reduce_sum3A_254 : i32
        %scan3A_256 = arith.constant 5 : i32
        %scan3A_257 = arith.addi %scan3A_87, %scan3A_256 : i32
        %mul3A_258 = arith.constant 16 : i32
        %mul3A_259 = arith.muli %scan3A_257, %mul3A_258 : i32
        %get3A_260 = arith.index_cast %mul3A_259 : i32 to index
        %get3A_261 = tpu.vector_load %arg5[%get3A_260] {strides = array<i32>} : memref<4096xi32, #tpu.memory_space<vmem>>, vector<16xi32>,
        %gt3A_262 = vector.broadcast %xor3A_66 : i32 to vector<16xi32>
        %gt3A_263 = arith.cmpi sgt, %get3A_261, %gt3A_262 : vector<16xi32>
        %eq3A_264 = vector.broadcast %xor3A_66 : i32 to vector<16xi32>
        %eq3A_265 = arith.cmpi eq, %get3A_261, %eq3A_264 : vector<16xi32>
        %convert_element_type3A_266 = arith.extui %eq3A_265 : vector<16xi1> to vector<16xi32>
        %cumsum3A_267 = arith.constant true
        %cumsum3A_268 = vector.broadcast %cumsum3A_267 : i1 to vector<16xi1>
        %cumsum3A_269 = tpu.scan <sum>, %convert_element_type3A_266 masked %cumsum3A_268 : vector<16xi32>, vector<16xi1> -> vector<16xi32>
        %add3A_270 = vector.broadcast %add3A_255 : i32 to vector<16xi32>
        %add3A_271 = arith.addi %add3A_270, %cumsum3A_269 : vector<16xi32>
        %sub3A_272 = arith.subi %add3A_271, %convert_element_type3A_266 : vector<16xi32>
        %lt3A_273 = vector.broadcast %sub3A_79 : i32 to vector<16xi32>
        %lt3A_274 = arith.cmpi slt, %sub3A_272, %lt3A_273 : vector<16xi32>
        %and3A_275 = arith.andi %eq3A_265, %lt3A_274 : vector<16xi1>
        %or3A_276 = arith.ori %gt3A_263, %and3A_275 : vector<16xi1>
        %jit3A_277 = arith.constant 1.000000e+00 : f32
        %jit3A_278 = arith.constant 0.000000e+00 : f32
        %broadcast_in_dim3A_279 = vector.broadcast %jit3A_277 : f32 to vector<16xf32>
        %broadcast_in_dim3A_280 = vector.broadcast %jit3A_278 : f32 to vector<16xf32>
        %select_n3A_281 = arith.select %or3A_276, %broadcast_in_dim3A_279, %broadcast_in_dim3A_280 : vector<16xi1>, vector<16xf32>
        %mul3A_282 = arith.constant 16 : i32
        %mul3A_283 = arith.muli %scan3A_257, %mul3A_282 : i32
        %swap3A_284 = arith.index_cast %mul3A_283 : i32 to index
        %swap3A_285 = tpu.vector_load %arg6[%swap3A_284] {strides = array<i32>} : memref<4096xf32, #tpu.memory_space<vmem>>, vector<16xf32>,
        tpu.vector_store %arg6[%swap3A_284], %select_n3A_281 {strides = array<i32>} : memref<4096xf32, #tpu.memory_space<vmem>>, vector<16xf32>,
        %reduce_sum3A_286 = arith.constant true
        %reduce_sum3A_287 = vector.broadcast %reduce_sum3A_286 : i1 to vector<16xi1>
        %reduce_sum3A_288 = tpu.scan <sum>, %convert_element_type3A_266 masked %reduce_sum3A_287 : vector<16xi32>, vector<16xi1> -> vector<16xi32>
        %reduce_sum3A_289 = vector.extract %reduce_sum3A_288[15] : i32 from vector<16xi32>
        %add3A_290 = arith.addi %add3A_255, %reduce_sum3A_289 : i32
        %scan3A_291 = arith.constant 6 : i32
        %scan3A_292 = arith.addi %scan3A_87, %scan3A_291 : i32
        %mul3A_293 = arith.constant 16 : i32
        %mul3A_294 = arith.muli %scan3A_292, %mul3A_293 : i32
        %get3A_295 = arith.index_cast %mul3A_294 : i32 to index
        %get3A_296 = tpu.vector_load %arg5[%get3A_295] {strides = array<i32>} : memref<4096xi32, #tpu.memory_space<vmem>>, vector<16xi32>,
        %gt3A_297 = vector.broadcast %xor3A_66 : i32 to vector<16xi32>
        %gt3A_298 = arith.cmpi sgt, %get3A_296, %gt3A_297 : vector<16xi32>
        %eq3A_299 = vector.broadcast %xor3A_66 : i32 to vector<16xi32>
        %eq3A_300 = arith.cmpi eq, %get3A_296, %eq3A_299 : vector<16xi32>
        %convert_element_type3A_301 = arith.extui %eq3A_300 : vector<16xi1> to vector<16xi32>
        %cumsum3A_302 = arith.constant true
        %cumsum3A_303 = vector.broadcast %cumsum3A_302 : i1 to vector<16xi1>
        %cumsum3A_304 = tpu.scan <sum>, %convert_element_type3A_301 masked %cumsum3A_303 : vector<16xi32>, vector<16xi1> -> vector<16xi32>
        %add3A_305 = vector.broadcast %add3A_290 : i32 to vector<16xi32>
        %add3A_306 = arith.addi %add3A_305, %cumsum3A_304 : vector<16xi32>
        %sub3A_307 = arith.subi %add3A_306, %convert_element_type3A_301 : vector<16xi32>
        %lt3A_308 = vector.broadcast %sub3A_79 : i32 to vector<16xi32>
        %lt3A_309 = arith.cmpi slt, %sub3A_307, %lt3A_308 : vector<16xi32>
        %and3A_310 = arith.andi %eq3A_300, %lt3A_309 : vector<16xi1>
        %or3A_311 = arith.ori %gt3A_298, %and3A_310 : vector<16xi1>
        %jit3A_312 = arith.constant 1.000000e+00 : f32
        %jit3A_313 = arith.constant 0.000000e+00 : f32
        %broadcast_in_dim3A_314 = vector.broadcast %jit3A_312 : f32 to vector<16xf32>
        %broadcast_in_dim3A_315 = vector.broadcast %jit3A_313 : f32 to vector<16xf32>
        %select_n3A_316 = arith.select %or3A_311, %broadcast_in_dim3A_314, %broadcast_in_dim3A_315 : vector<16xi1>, vector<16xf32>
        %mul3A_317 = arith.constant 16 : i32
        %mul3A_318 = arith.muli %scan3A_292, %mul3A_317 : i32
        %swap3A_319 = arith.index_cast %mul3A_318 : i32 to index
        %swap3A_320 = tpu.vector_load %arg6[%swap3A_319] {strides = array<i32>} : memref<4096xf32, #tpu.memory_space<vmem>>, vector<16xf32>,
        tpu.vector_store %arg6[%swap3A_319], %select_n3A_316 {strides = array<i32>} : memref<4096xf32, #tpu.memory_space<vmem>>, vector<16xf32>,
        %reduce_sum3A_321 = arith.constant true
        %reduce_sum3A_322 = vector.broadcast %reduce_sum3A_321 : i1 to vector<16xi1>
        %reduce_sum3A_323 = tpu.scan <sum>, %convert_element_type3A_301 masked %reduce_sum3A_322 : vector<16xi32>, vector<16xi1> -> vector<16xi32>
        %reduce_sum3A_324 = vector.extract %reduce_sum3A_323[15] : i32 from vector<16xi32>
        %add3A_325 = arith.addi %add3A_290, %reduce_sum3A_324 : i32
        %scan3A_326 = arith.constant 7 : i32
        %scan3A_327 = arith.addi %scan3A_87, %scan3A_326 : i32
        %mul3A_328 = arith.constant 16 : i32
        %mul3A_329 = arith.muli %scan3A_327, %mul3A_328 : i32
        %get3A_330 = arith.index_cast %mul3A_329 : i32 to index
        %get3A_331 = tpu.vector_load %arg5[%get3A_330] {strides = array<i32>} : memref<4096xi32, #tpu.memory_space<vmem>>, vector<16xi32>,
        %gt3A_332 = vector.broadcast %xor3A_66 : i32 to vector<16xi32>
        %gt3A_333 = arith.cmpi sgt, %get3A_331, %gt3A_332 : vector<16xi32>
        %eq3A_334 = vector.broadcast %xor3A_66 : i32 to vector<16xi32>
        %eq3A_335 = arith.cmpi eq, %get3A_331, %eq3A_334 : vector<16xi32>
        %convert_element_type3A_336 = arith.extui %eq3A_335 : vector<16xi1> to vector<16xi32>
        %cumsum3A_337 = arith.constant true
        %cumsum3A_338 = vector.broadcast %cumsum3A_337 : i1 to vector<16xi1>
        %cumsum3A_339 = tpu.scan <sum>, %convert_element_type3A_336 masked %cumsum3A_338 : vector<16xi32>, vector<16xi1> -> vector<16xi32>
        %add3A_340 = vector.broadcast %add3A_325 : i32 to vector<16xi32>
        %add3A_341 = arith.addi %add3A_340, %cumsum3A_339 : vector<16xi32>
        %sub3A_342 = arith.subi %add3A_341, %convert_element_type3A_336 : vector<16xi32>
        %lt3A_343 = vector.broadcast %sub3A_79 : i32 to vector<16xi32>
        %lt3A_344 = arith.cmpi slt, %sub3A_342, %lt3A_343 : vector<16xi32>
        %and3A_345 = arith.andi %eq3A_335, %lt3A_344 : vector<16xi1>
        %or3A_346 = arith.ori %gt3A_333, %and3A_345 : vector<16xi1>
        %jit3A_347 = arith.constant 1.000000e+00 : f32
        %jit3A_348 = arith.constant 0.000000e+00 : f32
        %broadcast_in_dim3A_349 = vector.broadcast %jit3A_347 : f32 to vector<16xf32>
        %broadcast_in_dim3A_350 = vector.broadcast %jit3A_348 : f32 to vector<16xf32>
        %select_n3A_351 = arith.select %or3A_346, %broadcast_in_dim3A_349, %broadcast_in_dim3A_350 : vector<16xi1>, vector<16xf32>
        %mul3A_352 = arith.constant 16 : i32
        %mul3A_353 = arith.muli %scan3A_327, %mul3A_352 : i32
        %swap3A_354 = arith.index_cast %mul3A_353 : i32 to index
        %swap3A_355 = tpu.vector_load %arg6[%swap3A_354] {strides = array<i32>} : memref<4096xf32, #tpu.memory_space<vmem>>, vector<16xf32>,
        tpu.vector_store %arg6[%swap3A_354], %select_n3A_351 {strides = array<i32>} : memref<4096xf32, #tpu.memory_space<vmem>>, vector<16xf32>,
        %reduce_sum3A_356 = arith.constant true
        %reduce_sum3A_357 = vector.broadcast %reduce_sum3A_356 : i1 to vector<16xi1>
        %reduce_sum3A_358 = tpu.scan <sum>, %convert_element_type3A_336 masked %reduce_sum3A_357 : vector<16xi32>, vector<16xi1> -> vector<16xi32>
        %reduce_sum3A_359 = vector.extract %reduce_sum3A_358[15] : i32 from vector<16xi32>
        %add3A_360 = arith.addi %add3A_325, %reduce_sum3A_359 : i32
        scf.yield %add3A_360 : i32
      }
      %scan3A_86 = arith.constant 256 : i32
      "tpu.region"() ({
        %run_scoped3A = tpu.sem_alloc : memref<!tpu.dma_semaphore, #tpu.memory_space<semaphore_mem>>
        tpu.enqueue_dma source(%arg6 : memref<4096xf32, #tpu.memory_space<vmem>>) target(%arg3 : memref<4096xf32, #tpu.memory_space<hbm>>) target_semaphore(%run_scoped3A : memref<!tpu.dma_semaphore, #tpu.memory_space<semaphore_mem>>)
        tpu.wait_dma2 semaphore(%run_scoped3A : memref<!tpu.dma_semaphore, #tpu.memory_space<semaphore_mem>>) src(%arg6 : memref<4096xf32, #tpu.memory_space<vmem>>) dst(%arg3 : memref<4096xf32, #tpu.memory_space<hbm>>)
        tpu.yield
      }) : () -> ()
    } else {
    }
    return
  }
}

module attributes {stable_mosaic.version = 14 : i64} {
  func.func @_rowsum_body(%arg0: i32, %arg1: memref<512x4096xf32, #tpu.memory_space<vmem>>, %arg2: memref<512xf32, #tpu.memory_space<vmem>>) attributes {dimension_semantics = [#tpu.dimension_semantics<arbitrary>], iteration_bounds = array<i64: 8>, scalar_prefetch = 0 : i64, scratch_operands = 0 : i64, tpu.core_type = #tpu.core_type<tc>, window_params = [{transform_indices = @transform_0, window_bounds = array<i64: 512, 4096>}, {transform_indices = @transform_1, window_bounds = array<i64: 512>}]} {
    %get3A = arith.constant 0 : index
    %get3A_0 = arith.constant 0 : index
    %get3A_1 = vector.load %arg1[%get3A, %get3A_0] : memref<512x4096xf32, #tpu.memory_space<vmem>>, vector<512x4096xf32>
    %reduce_sum3A = arith.constant dense<0.000000e+00> : vector<512xf32>
    %reduce_sum3A_2 = vector.multi_reduction <add>, %get3A_1, %reduce_sum3A [1] : vector<512x4096xf32> to vector<512xf32>
    %swap3A = arith.constant 0 : index
    %swap3A_3 = vector.load %arg2[%swap3A] : memref<512xf32, #tpu.memory_space<vmem>>, vector<512xf32>
    tpu.vector_store %arg2[%swap3A], %reduce_sum3A_2 {strides = array<i32>} : memref<512xf32, #tpu.memory_space<vmem>>, vector<512xf32>,
    return
  }
  func.func @transform_0(%arg0: i32) -> (i32, i32) {
    %c0_i32 = arith.constant 0 : i32
    %c0_i32_0 = arith.constant 0 : i32
    return %arg0, %c0_i32 : i32, i32
  }
  func.func @transform_1(%arg0: i32) -> i32 {
    %c0_i32 = arith.constant 0 : i32
    return %arg0 : i32
  }
}

module attributes {stable_mosaic.version = 14 : i64} {
  func.func @_build_body(%arg0: i32, %arg1: memref<512xf32, #tpu.memory_space<vmem>>, %arg2: memref<4096xf32, #tpu.memory_space<vmem>>, %arg3: memref<512x4096xf32, #tpu.memory_space<vmem>>) attributes {dimension_semantics = [#tpu.dimension_semantics<arbitrary>], iteration_bounds = array<i64: 8>, scalar_prefetch = 0 : i64, scratch_operands = 0 : i64, tpu.core_type = #tpu.core_type<tc>, window_params = [{transform_indices = @transform_0, window_bounds = array<i64: 512>}, {pipeline_mode = #tpu.pipeline_mode<synchronous>, transform_indices = @transform_1, window_bounds = array<i64: 4096>}, {transform_indices = @transform_2, window_bounds = array<i64: 512, 4096>}]} {
    %get3A = arith.constant 0 : index
    %get3A_0 = vector.load %arg1[%get3A] : memref<512xf32, #tpu.memory_space<vmem>>, vector<512xf32>
    %reshape3A = vector.shape_cast %get3A_0 : vector<512xf32> to vector<512x1xf32>
    %get3A_1 = arith.constant 0 : index
    %get3A_2 = vector.load %arg2[%get3A_1] : memref<4096xf32, #tpu.memory_space<vmem>>, vector<4096xf32>
    %reshape3A_3 = vector.shape_cast %get3A_2 : vector<4096xf32> to vector<1x4096xf32>
    %max3A = vector.broadcast %reshape3A : vector<512x1xf32> to vector<512x4096xf32>
    %max3A_4 = vector.broadcast %reshape3A_3 : vector<1x4096xf32> to vector<512x4096xf32>
    %max3A_5 = arith.maximumf %max3A, %max3A_4 : vector<512x4096xf32>
    %iota3A = tpu.iota {dimensions = array<i32: 0>} : vector<512x4096xi32>
    %mul3A = arith.constant 512 : i32
    %mul3A_6 = arith.muli %arg0, %mul3A : i32
    %add3A = vector.broadcast %mul3A_6 : i32 to vector<512x4096xi32>
    %add3A_7 = arith.addi %iota3A, %add3A : vector<512x4096xi32>
    %iota3A_8 = tpu.iota {dimensions = array<i32: 1>} : vector<512x4096xi32>
    %eq3A = arith.cmpi eq, %add3A_7, %iota3A_8 : vector<512x4096xi32>
    %jit3A = arith.constant 1.000000e+00 : f32
    %broadcast_in_dim3A = vector.broadcast %jit3A : f32 to vector<512x4096xf32>
    %select_n3A = arith.select %eq3A, %broadcast_in_dim3A, %max3A_5 : vector<512x4096xi1>, vector<512x4096xf32>
    %swap3A = arith.constant 0 : index
    %swap3A_9 = arith.constant 0 : index
    %swap3A_10 = vector.load %arg3[%swap3A, %swap3A_9] : memref<512x4096xf32, #tpu.memory_space<vmem>>, vector<512x4096xf32>
    tpu.vector_store %arg3[%swap3A, %swap3A_9], %select_n3A {strides = array<i32>} : memref<512x4096xf32, #tpu.memory_space<vmem>>, vector<512x4096xf32>,
    return
  }
  func.func @transform_0(%arg0: i32) -> i32 {
    %c0_i32 = arith.constant 0 : i32
    return %arg0 : i32
  }
  func.func @transform_1(%arg0: i32) -> i32 {
    %c0_i32 = arith.constant 0 : i32
    %c0_i32_0 = arith.constant 0 : i32
    return %c0_i32 : i32
  }
  func.func @transform_2(%arg0: i32) -> (i32, i32) {
    %c0_i32 = arith.constant 0 : i32
    %c0_i32_0 = arith.constant 0 : i32
    return %arg0, %c0_i32 : i32, i32
  }
}

</mosaic_0001>

<sc_bundles>
// kernel: kernel.5.cloned.1.call-start
scs
__scs_entry_jumppad:
0x0: {  	(pc) =	sbr.rel $0x88, $3  }
0x1: {  	(tag) =	ssettag $0x0;
	lr =	simm.s32 $0x1  }
0x2: {  	[smem:$0x3FA0] =	sst lr;
	_ =	strace $0xD0000000  }
0x3: {  	_ = 	snop  }
0x4: {  	_ = 	snop  }
0x5: {  	_ = 	snop  }
0x6: {  	_ = 	snop  }
0x7: {  	_ = 	snop  }
__scs_overlays_trampoline_lowered:
0x8: {  	[smem:$0x3FAF] =	sst s0  }
0x9: {  	[smem:$0x3FB0] =	sst s1  }
0xa: {  	[smem:$0x3FB1] =	sst s2  }
0xb: {  	[smem:$0x3FB2] =	sst s3  }
0xc: {  	[smem:$0x3FB3] =	sst s4  }
0xd: {  	[smem:$0x3FB4] =	sst s5  }
0xe: {  	[smem:$0x3FB5] =	sst s6  }
0xf: {  	[smem:$0x3FB6] =	sst s7  }
0x10: {  	[smem:$0x3FB7] =	sst s8  }
0x11: {  	[smem:$0x3FB8] =	sst s9;
	s0 =	simm.s32 @!p0 $0x0  }
0x12: {  	s1 =	sld [smem:$0x3F9E];
	s0 =	simm.s32 @p0 $0x1  }
0x13: {  	[smem:$0x3FB9] =	sst s0;
	s0 =	simm.s32 @!p1 $0x0  }
0x14: {  	s2 =	sld [smem:$0x3F9D];
	s0 =	simm.s32 @p1 $0x1  }
0x15: {  	[smem:$0x3FBA] =	sst s0;
	s0 =	simm.s32 @!p2 $0x0  }
0x16: {  	s3 =	sld [smem:$0x3FDB];
	s0 =	simm.s32 @p2 $0x1  }
0x17: {  	s4 =	simm.s32 $0x1BF5;
	[smem:$0x3FBC] =	sst s0  }
0x18: {  	s0 =	sld [smem:$0x3F9F];
	_ =	swait.ge [sflag:s4], $0x0  }
0x19: {  	s7 =	sld [smem:$0x3FA0]  }
0x1a: {  	s8 =	sadd.s32 $0xFFFFE003, lr  }
0x1b: {  	s9 =	sadd.s32 $0xFFFFFEF7, lr;
	s5 =	simm.s32 $0xFFFFFFFF;
	p2 =	slt.u32 s8, $0xFFFFF086  }
0x1c: {  	p1 =	slt.u32 s9, $0xF7A;
	s5 =	simm.s32 @!p2 $0x0  }
0x1d: {  	s5 =	simm.s32 @p1 $0x1;
	p0 =	seq.s32 s7, s2  }
0x1e: {  	s7 =	smul.u32 @!p0 $0xF7A, s2;
	p2 =	seq.s32 @!p0 s5, $0x0  }
0x1f: {  	s9 =	smul.u32 $0xF7A, s1;
	s8 =	simm.s32 @!p0 $0x1BF5;
	p2 =	por !p2, p0  }
0x20: {  	[sflag:s8] =	ssyncset.s32 @!p0 $0xFFFFF086;
	s6 =	sadd.s32 @!p0 s3, s7;
	s7 =	simm.s32 @!p0 $0x108  }
0x21: {  	s3 =	sadd.s32 s3, s9;
	s6 =	sadd.s32 @!p0 $0x88, s6;
	s7 =	simm.s32 @p2 $0x1082  }
0x22: {  	[simem:s7], [sflag:s8] =	dma.local @!p0 [hbm:s6], $0xF7A  }
0x23: {  	s9 =	sor.u32 $0xD0000000, s2;
	s6 =	simm.s32 $0x108;
	_ =	swait.ge @!p0 [sflag:s8], $0x0  }
0x24: {  	s3 =	sadd.s32 $0x88, s3;
	s6 =	simm.s32 @!p1 $0x1082;
	[sflag:s4] =	ssyncset.s32 $0xFFFFF086  }
0x25: {  	[simem:s6], [sflag:s4] =	dma.local [hbm:s3], $0xF7A  }
0x26: {  	[smem:$0x3FA0] =	sst s1;
	(tag) =	ssettag s2;
	_ =	strace s9  }
0x27: {  	s1 =	sld [smem:$0x3FB0]  }
0x28: {  	s2 =	sld [smem:$0x3FB1]  }
0x29: {  	s4 =	sld [smem:$0x3FB3]  }
0x2a: {  	p0 =	seq.s32 s5, $0x0;
	s5 =	sld [smem:$0x3FB4]  }
0x2b: {  	s6 =	sld [smem:$0x3FB5]  }
0x2c: {  	s7 =	sld [smem:$0x3FB6]  }
0x2d: {  	s3 =	simm.s32 $0x108;
	s8 =	sld [smem:$0x3FB7]  }
0x2e: {  	s3 =	simm.s32 @!p0 $0x1082;
	s9 =	sld [smem:$0x3FB8]  }
0x2f: {  	lr =	sadd.s32 s0, s3;
	s0 =	sld [smem:$0x3FAF]  }
0x30: {  	s3 =	sld [smem:$0x3FB2]  }
0x31: {  	[smem:$0x3FBB] =	sst s10  }
0x32: {  	s10 =	sld [smem:$0x3FB9];
	_ =	sdelay $0x3  }
0x33: {  	p0 =	seq.s32 s10, $0x1;
	s10 =	sld [smem:$0x3FBB];
	_ =	sdelay $0x3  }
0x34: {  	[smem:$0x3FBB] =	sst s10  }
0x35: {  	s10 =	sld [smem:$0x3FBA];
	_ =	sdelay $0x3  }
0x36: {  	p1 =	seq.s32 s10, $0x1;
	s10 =	sld [smem:$0x3FBB];
	_ =	sdelay $0x3  }
0x37: {  	[smem:$0x3FBB] =	sst s10  }
0x38: {  	s10 =	sld [smem:$0x3FBC]  }
0x39: {  	_ = 	snop;
	(pc) =	sbr.ind lr, $3  }
0x3a: {  	_ = 	snop  }
0x3b: {  	_ = 	snop  }
0x3c: {  	p2 =	seq.s32 s10, $0x1;
	s10 =	sld [smem:$0x3FBB]  }
0x3d: {  	_ =	shalt  }
0x3e: {  	_ =	shalt  }
0x3f: {  	_ =	shalt  }
0x40: {  	_ =	shalt  }
0x41: {  	_ =	shalt  }
0x42: {  	_ =	shalt  }
0x43: {  	_ =	shalt  }
0x44: {  	_ =	shalt  }
0x45: {  	_ =	shalt  }
0x46: {  	_ =	shalt  }
0x47: {  	_ =	shalt  }
0x48: {  	_ =	shalt  }
0x49: {  	_ =	shalt  }
0x4a: {  	_ =	shalt  }
0x4b: {  	_ =	shalt  }
0x4c: {  	_ =	shalt  }
0x4d: {  	_ =	shalt  }
0x4e: {  	_ =	shalt  }
0x4f: {  	_ =	shalt  }
0x50: {  	_ =	shalt  }
0x51: {  	_ =	shalt  }
0x52: {  	_ =	shalt  }
0x53: {  	_ =	shalt  }
0x54: {  	_ =	shalt  }
0x55: {  	_ =	shalt  }
0x56: {  	_ =	shalt  }
0x57: {  	_ =	shalt  }
0x58: {  	_ =	shalt  }
0x59: {  	_ =	shalt  }
0x5a: {  	_ =	shalt  }
0x5b: {  	_ =	shalt  }
0x5c: {  	_ =	shalt  }
0x5d: {  	_ =	shalt  }
0x5e: {  	_ =	shalt  }
0x5f: {  	_ =	shalt  }
0x60: {  	_ =	shalt  }
0x61: {  	_ =	shalt  }
0x62: {  	_ =	shalt  }
0x63: {  	_ =	shalt  }
0x64: {  	_ =	shalt  }
0x65: {  	_ =	shalt  }
0x66: {  	_ =	shalt  }
0x67: {  	_ =	shalt  }
0x68: {  	_ =	shalt  }
0x69: {  	_ =	shalt  }
0x6a: {  	_ =	shalt  }
0x6b: {  	_ =	shalt  }
0x6c: {  	_ =	shalt  }
0x6d: {  	_ =	shalt  }
0x6e: {  	_ =	shalt  }
0x6f: {  	_ =	shalt  }
0x70: {  	_ =	shalt  }
0x71: {  	_ =	shalt  }
0x72: {  	_ =	shalt  }
0x73: {  	_ =	shalt  }
0x74: {  	_ =	shalt  }
0x75: {  	_ =	shalt  }
0x76: {  	_ =	shalt  }
0x77: {  	_ =	shalt  }
0x78: {  	_ =	shalt  }
0x79: {  	_ =	shalt  }
0x7a: {  	_ =	shalt  }
0x7b: {  	_ =	shalt  }
0x7c: {  	_ =	shalt  }
0x7d: {  	_ =	shalt  }
0x7e: {  	_ =	shalt  }
0x7f: {  	_ =	shalt  }
0x80: {  	_ =	shalt  }
0x81: {  	_ =	shalt  }
0x82: {  	_ =	shalt  }
0x83: {  	_ =	shalt  }
0x84: {  	_ =	shalt  }
0x85: {  	_ =	shalt  }
0x86: {  	_ =	shalt  }
0x87: {  	_ =	shalt  }
.Lfunc_end0:
.L_simem_size_0:
called_computation_lowered:
.L_overlay_start_0:
0x88: {  	s0 =	sld [smem:$0x3FD9]  }
0x89: {  	s1 =	sld [smem:$0x3FFE];
	_ =	sdelay $0x3  }
0x8a: {  	s0 =	sadd.s32 s1, s0  }
0x8b: {  	[smem:$0x3FC7] =	sst s0  }
0x8c: {  	_ = 	snop  }
0x8d: {  	s0 =	sld [smem:$0x3FD0];
	(tm) =	ssettm $0x1  }
0x8e: {  	s16 =	sld [smem:$0x3FFB];
	_ =	sdelay $0x3  }
0x8f: {  	_ =	strace s16  }
0x90: {  	s1 =	sld [smem:$0x3FFC];
	_ =	sdelay $0x3  }
0x91: {  	_ =	strace s1  }
0x92: {  	s1 =	sld [smem:$0x3FFD];
	_ =	sdelay $0x3  }
0x93: {  	_ =	strace s1  }
0x94: {  	_ =	strace $0x8FFFFFFF  }
0x95: {  	s17 =	sld [smem:$0x3FDB];
	_ =	sdelay $0x1  }
0x96: {  	s2 =	simm.s32 $_scs_section_size  }
0x97: {  	s3 =	simm.s32 $_size__tile_overlayer_lowered;
	s4 =	simm.s32 $_tile_overlayer_lowered  }
0x98: {  	s20 =	simm.s32 $0x1BFF;
	s19 =	sshll.u32 s4, $0x1;
	s1 =	sadd.s32 s2, s17  }
0x99: {  	s5 =	simm.s32 $0x0;
	s18 =	sshll.u32 s3, $0x1;
	s3 =	sadd.s32 s19, s1  }
0x9a: {  	[timem:s5], [sflag:s20] =	dma.local [hbm:s3], s18  }
0x9b: {  	_ =	swait.ge [sflag:s20], s18  }
0x9c: {  	s2 =	ssub.s32 $0x0, s18;
	[sflag:s20] =	ssyncset.done $0x0  }
0x9d: {  	[sflag:s20] =	ssyncadd.s32 s2;
	_ =	sdelay $0x1  }
0x9e: {  	s21 =	simm.s32 $0x1B8B  }
0x9f: {  	_ =	swait.ge [sflag:s21], $0x1  }
0xa0: {  	[sflag:s21] =	ssyncset.done $0x0  }
0xa1: {  	s23 =	simm.s32 $0x1B8E;
	s22 =	sld [smem:$0x3FFE];
	[sflag:s21] =	ssyncadd.s32 $0xFFFFFFFF  }
0xa2: {  	s24 =	simm.s32 $execute0_lowered;
	[smem:$0x3FD2] =	sst s23  }
0xa3: {  	s3 =	sshll.u32 s24, $0x1;
	_ =	strace $0x80000046;
	[dreg:$0x1] =	wrdreg $0xFFFFFFFF  }
0xa4: {  	s25 =	simm.s32 $_size_execute0_lowered;
	s1 =	sadd.s32 s1, s3;
	[dreg:$0x0] =	wrdreg $0x0  }
0xa5: {  	s3 =	sshll.u32 s25, $0x1;
	[dreg:$0x2] =	wrdreg s1  }
0xa6: {  	[dreg:$0x3] =	wrdreg s3  }
0xa7: {  	[dreg:$0x4] =	wrdreg $0xC0  }
0xa8: {  	_ =	task [dreg:s5], $0x5FFFF  }
0xa9: {  	[dreg:$0x1] =	wrdreg $0xFFFFFFFF  }
0xaa: {  	[dreg:$0x0] =	wrdreg $0x60  }
0xab: {  	[dreg:$0x2] =	wrdreg s0  }
0xac: {  	[dreg:$0x3] =	wrdreg s22  }
0xad: {  	[dreg:$0x4] =	wrdreg $0x9  }
0xae: {  	_ =	task.clear_ibuf [dreg:s5], $0x5FFFF;
	_ =	strace $0x90000046  }
0xaf: {  	s26 =	simm.s32 $0x9;
	_ =	strace $0x80000048  }
0xb0: {  	_ =	swait.ge [sflag:s26], $0x1  }
0xb1: {  	[sflag:s26] =	ssyncadd.s32 $0xFFFFFFFF  }
0xb2: {  	_ =	strace $0x90000048  }
0xb3: {  	_ =	sfence  }
0xb4: {  	s28 =	sld [smem:$0x0];
	_ =	sdelay $0x1  }
0xb5: {  	s29 =	srdreg.scid  }
0xb6: {  	s30 =	sshll.u32 s29, $0xD;
	s31 =	sshrl.u32 s29, $0x2  }
0xb7: {  	s2 =	sand.u32 $0x4000, s30;
	s1 =	sand.u32 $0x1, s29;
	s0 =	sadd.s32 s31, s28  }
0xb8: {  	s1 =	sor.u32 s2, s1;
	s0 =	sshll.u32 s0, $0x11  }
0xb9: {  	s0 =	sor.u32 s0, s1  }
0xba: {  	s0 =	sadd.s32 $0x8F2B, s0  }
0xbb: {  	[sflag:s0] =	ssyncadd.remote.s32 $0x1  }
0xbc: {  	_ =	sfence.sel $0xFFFF  }
0xbd: {  	[dreg:$0x0] =	wrdreg $0xFFFFFFFF;
	(pc) =	sbr.abs _section_cstart, $3  }
0xbe: {  	[dreg:$0x1] =	wrdreg $0xFFFFFFFF  }
0xbf: {  	_ =	task.clear_ibuf [dreg:s5], $0x2FFFF;
	_ =	strace $0x9FFFFFFF  }
0xc0: {  	(tm) =	ssettm $0x7FFFFFFF  }
0xc1: {  	_ =	shalt  }
tec
execute0_lowered:
.L_overlay_start_1:
0x0: {  	(tag) =	ssettag $0x1  }
0x1: {  	s3 =	stileid.u32  }
0x2: {  	p0 =	sne.s32 s3, $0x0  }
.Ltmp0:
0x3: {  	_ = 	snop;
	(pc) =	sbr.rel @p0 .LBB2_15-.Ltmp0, $4  }
0x4: {  	_ = 	snop  }
0x5: {  	s2 =	rddreg [dreg:$0x0]  }
0x6: {  	s1 =	rddreg [dreg:$0x1]  }
0x7: {  	s0 =	rddreg [dreg:$0x2];
	_ =	strace $0x80000047  }
0x8: {  	s3 =	simm.s32 $0x0;
	s30 =	simm.s32 $0x1  }
0x9: {  	[tilespmem:s3], [sflag:$0x1] =	stream.linear.gather [hbm4b:s2+s3], $0x1000, $0x38;
	[tilespmem:$0x3000] =	vst v63  }
0xa: {  	_ =	swait.ge [sflag:s30], $0x1000  }
0xb: {  	[sflag:s30] =	ssyncset.done $0x0  }
0xc: {  	s31 =	simm.s32 $0x40;
	[sflag:s30] =	ssyncadd.s32 $0xFFFFF000  }
0xd: {  	v0 =	vld [tilespmem:s31+$0xFFFFFFC0];
	_ =	sdelay $0x4  }
0xe: {  	v1 =	vxor.u32 $0x7FFFFFFF, v0;
	vm0 =	vlt.s32 v0, $0x0  }
0xf: {  	s2 =	simm.s32 $0x1040;
	v0 =	vsel vm0, v1, v0  }
0x10: {  	[tilespmem:s2+$0xFFFFFFC0] =	vst v0  }
0x11: {  	v0 =	vld [tilespmem:s31+$0xFFFFFFD0];
	_ =	sdelay $0x4  }
0x12: {  	v57 =	vxor.u32 $0x7FFFFFFF, v0;
	vm9 =	vlt.s32 v0, $0x0  }
0x13: {  	v0 =	vsel vm9, v57, v0  }
0x14: {  	[tilespmem:s2+$0xFFFFFFD0] =	vst v0  }
0x15: {  	v0 =	vld [tilespmem:s31+$0xFFFFFFE0];
	_ =	sdelay $0x4  }
0x16: {  	v58 =	vxor.u32 $0x7FFFFFFF, v0;
	vm10 =	vlt.s32 v0, $0x0  }
0x17: {  	v0 =	vsel vm10, v58, v0  }
0x18: {  	[tilespmem:s2+$0xFFFFFFE0] =	vst v0  }
0x19: {  	v0 =	vld [tilespmem:s31+$0xFFFFFFF0];
	_ =	sdelay $0x4  }
0x1a: {  	v59 =	vxor.u32 $0x7FFFFFFF, v0;
	vm11 =	vlt.s32 v0, $0x0  }
0x1b: {  	v0 =	vsel vm11, v59, v0  }
0x1c: {  	[tilespmem:s2+$0xFFFFFFF0] =	vst v0  }
0x1d: {  	v0 =	vld [tilespmem:s31+$0x0];
	_ =	sdelay $0x4  }
0x1e: {  	v60 =	vxor.u32 $0x7FFFFFFF, v0;
	vm12 =	vlt.s32 v0, $0x0  }
0x1f: {  	v0 =	vsel vm12, v60, v0  }
0x20: {  	[tilespmem:s2+$0x0] =	vst v0  }
0x21: {  	v0 =	vld [tilespmem:s31+$0x10];
	_ =	sdelay $0x4  }
0x22: {  	v61 =	vxor.u32 $0x7FFFFFFF, v0;
	vm13 =	vlt.s32 v0, $0x0  }
0x23: {  	v0 =	vsel vm13, v61, v0  }
0x24: {  	[tilespmem:s2+$0x10] =	vst v0  }
0x25: {  	v0 =	vld [tilespmem:s31+$0x20];
	_ =	sdelay $0x4  }
0x26: {  	v62 =	vxor.u32 $0x7FFFFFFF, v0;
	vm14 =	vlt.s32 v0, $0x0  }
0x27: {  	v0 =	vsel vm14, v62, v0  }
0x28: {  	[tilespmem:s2+$0x20] =	vst v0  }
0x29: {  	v0 =	vld [tilespmem:s31+$0x30];
	_ =	sdelay $0x4  }
0x2a: {  	v63 =	vxor.u32 $0x7FFFFFFF, v0;
	vm15 =	vlt.s32 v0, $0x0  }
0x2b: {  	v0 =	vsel vm15, v63, v0  }
0x2c: {  	s1 =	sadd.s32 $0x800, s1;
	s4 =	simm.s32 $0xC0;
	s3 =	simm.s32 $0x0;
	[tilespmem:s2+$0x30] =	vst v0  }
.LBB2_2:
0x2d: {  	v0 =	vld [tilespmem:s4+$0xFFFFFFC0];
	s3 =	sadd.s32 $0x8, s3  }
0x2e: {  	p1 =	slt.u32 s3, $0xF8;
	_ =	sdelay $0x3  }
0x2f: {  	v1 =	vxor.u32 $0x7FFFFFFF, v0;
	vm0 =	vlt.s32 v0, $0x0  }
0x30: {  	s2 =	sadd.s32 $0x80, s2;
	v0 =	vsel vm0, v1, v0  }
0x31: {  	[tilespmem:s2+$0xFFFFFFC0] =	vst v0  }
0x32: {  	v0 =	vld [tilespmem:s4+$0xFFFFFFD0];
	_ =	sdelay $0x4  }
0x33: {  	v1 =	vxor.u32 $0x7FFFFFFF, v0;
	vm0 =	vlt.s32 v0, $0x0  }
0x34: {  	v0 =	vsel vm0, v1, v0  }
0x35: {  	[tilespmem:s2+$0xFFFFFFD0] =	vst v0  }
0x36: {  	v0 =	vld [tilespmem:s4+$0xFFFFFFE0];
	_ =	sdelay $0x4  }
0x37: {  	v1 =	vxor.u32 $0x7FFFFFFF, v0;
	vm0 =	vlt.s32 v0, $0x0  }
0x38: {  	v0 =	vsel vm0, v1, v0  }
0x39: {  	[tilespmem:s2+$0xFFFFFFE0] =	vst v0  }
0x3a: {  	v0 =	vld [tilespmem:s4+$0xFFFFFFF0];
	_ =	sdelay $0x4  }
0x3b: {  	v1 =	vxor.u32 $0x7FFFFFFF, v0;
	vm0 =	vlt.s32 v0, $0x0  }
0x3c: {  	v0 =	vsel vm0, v1, v0  }
0x3d: {  	[tilespmem:s2+$0xFFFFFFF0] =	vst v0  }
0x3e: {  	v0 =	vld [tilespmem:s4+$0x0];
	_ =	sdelay $0x4  }
0x3f: {  	v1 =	vxor.u32 $0x7FFFFFFF, v0;
	vm0 =	vlt.s32 v0, $0x0  }
0x40: {  	v0 =	vsel vm0, v1, v0  }
0x41: {  	[tilespmem:s2+$0x0] =	vst v0  }
0x42: {  	v0 =	vld [tilespmem:s4+$0x10];
	_ =	sdelay $0x4  }
0x43: {  	v1 =	vxor.u32 $0x7FFFFFFF, v0;
	vm0 =	vlt.s32 v0, $0x0  }
0x44: {  	v0 =	vsel vm0, v1, v0  }
0x45: {  	[tilespmem:s2+$0x10] =	vst v0  }
0x46: {  	v0 =	vld [tilespmem:s4+$0x20];
	_ =	sdelay $0x4  }
0x47: {  	v1 =	vxor.u32 $0x7FFFFFFF, v0;
	vm0 =	vlt.s32 v0, $0x0  }
0x48: {  	v0 =	vsel vm0, v1, v0  }
0x49: {  	[tilespmem:s2+$0x20] =	vst v0  }
0x4a: {  	v0 =	vld [tilespmem:s4+$0x30];
	_ =	sdelay $0x2  }
.Ltmp1:
0x4b: {  	(pc) =	sbr.rel @p1 .LBB2_2-.Ltmp1, $4  }
0x4c: {  	_ = 	snop  }
0x4d: {  	v1 =	vxor.u32 $0x7FFFFFFF, v0;
	vm0 =	vlt.s32 v0, $0x0  }
0x4e: {  	v0 =	vsel vm0, v1, v0  }
0x4f: {  	s4 =	sadd.s32 $0x80, s4;
	[tilespmem:s2+$0x30] =	vst v0  }
0x50: {  	s3 =	simm.s32 $0x1040  }
0x51: {  	v0 =	vld [tilespmem:s3+$0xFFFFFFC0];
	_ =	sdelay $0x1  }
0x52: {  	v1 =	vld [tilespmem:s3+$0xFFFFFFD0];
	_ =	sdelay $0x1  }
0x53: {  	v2 =	vimm.s32 $0x7FFFFFFF;
	v3 =	vimm.s32 $0x80000000;
	v4 =	vld [tilespmem:s3+$0xFFFFFFE0]  }
0x54: {  	vm0 =	vlt.s32 v2, v0;
	vm1 =	vgt.s32 v3, v0  }
0x55: {  	v2 =	vsel vm0, v2, v0;
	v0 =	vsel vm1, v3, v0;
	v3 =	vld [tilespmem:s3+$0xFFFFFFF0]  }
0x56: {  	vm0 =	vlt.s32 v2, v1;
	vm1 =	vgt.s32 v0, v1  }
0x57: {  	v5 =	vld [tilespmem:s3+$0x0];
	v2 =	vsel vm0, v2, v1;
	v0 =	vsel vm1, v0, v1  }
0x58: {  	vm0 =	vlt.s32 v2, v4;
	vm1 =	vgt.s32 v0, v4  }
0x59: {  	v1 =	vsel vm0, v2, v4;
	v2 =	vsel vm1, v0, v4;
	v0 =	vld [tilespmem:s3+$0x10]  }
0x5a: {  	vm0 =	vlt.s32 v1, v3;
	vm1 =	vgt.s32 v2, v3  }
0x5b: {  	v4 =	vsel vm0, v1, v3;
	v2 =	vsel vm1, v2, v3;
	v1 =	vld [tilespmem:s3+$0x20]  }
0x5c: {  	vm0 =	vlt.s32 v4, v5;
	vm1 =	vgt.s32 v2, v5  }
0x5d: {  	v3 =	vsel vm0, v4, v5;
	v4 =	vsel vm1, v2, v5;
	v2 =	vld [tilespmem:s3+$0x30]  }
0x5e: {  	s2 =	simm.s32 $0x0;
	s3 =	simm.s32 $0x10C0;
	vm0 =	vlt.s32 v3, v0;
	vm1 =	vgt.s32 v4, v0  }
.LBB2_4:
0x5f: {  	v5 =	vld [tilespmem:s3+$0xFFFFFFC0];
	s2 =	sadd.s32 $0x8, s2;
	v3 =	vsel vm0, v3, v0;
	v0 =	vsel vm1, v4, v0  }
0x60: {  	p1 =	slt.u32 s2, $0xF8;
	vm0 =	vlt.s32 v3, v1;
	vm1 =	vgt.s32 v0, v1  }
0x61: {  	v4 =	vld [tilespmem:s3+$0xFFFFFFD0];
	v3 =	vsel vm0, v3, v1;
	v0 =	vsel vm1, v0, v1  }
0x62: {  	vm0 =	vlt.s32 v3, v2;
	vm1 =	vgt.s32 v0, v2  }
0x63: {  	v1 =	vld [tilespmem:s3+$0xFFFFFFE0];
	v3 =	vsel vm0, v3, v2;
	v0 =	vsel vm1, v0, v2  }
0x64: {  	vm0 =	vlt.s32 v3, v5;
	vm1 =	vgt.s32 v0, v5  }
0x65: {  	v2 =	vsel vm0, v3, v5;
	v0 =	vsel vm1, v0, v5;
	v3 =	vld [tilespmem:s3+$0xFFFFFFF0]  }
0x66: {  	vm0 =	vlt.s32 v2, v4;
	vm1 =	vgt.s32 v0, v4  }
0x67: {  	v2 =	vsel vm0, v2, v4;
	v0 =	vsel vm1, v0, v4;
	v4 =	vld [tilespmem:s3+$0x0]  }
0x68: {  	vm0 =	vlt.s32 v2, v1;
	vm1 =	vgt.s32 v0, v1  }
0x69: {  	v2 =	vsel vm0, v2, v1;
	v1 =	vsel vm1, v0, v1;
	v0 =	vld [tilespmem:s3+$0x10]  }
.Ltmp2:
0x6a: {  	vm0 =	vlt.s32 v2, v3;
	vm1 =	vgt.s32 v1, v3;
	(pc) =	sbr.rel @p1 .LBB2_4-.Ltmp2, $4  }
0x6b: {  	v2 =	vsel vm0, v2, v3;
	v5 =	vsel vm1, v1, v3;
	v1 =	vld [tilespmem:s3+$0x20]  }
0x6c: {  	vm0 =	vlt.s32 v2, v4;
	vm1 =	vgt.s32 v5, v4  }
0x6d: {  	v3 =	vsel vm0, v2, v4;
	v4 =	vsel vm1, v5, v4;
	v2 =	vld [tilespmem:s3+$0x30]  }
0x6e: {  	s3 =	sadd.s32 $0x80, s3;
	vm0 =	vlt.s32 v3, v0;
	vm1 =	vgt.s32 v4, v0  }
0x6f: {  	v3 =	vsel vm0, v3, v0  }
0x70: {  	v60 =	vsel vm1, v4, v0;
	vm0 =	vlt.s32 v3, v1  }
0x71: {  	vm1 =	vgt.s32 v60, v1;
	v3 =	vsel vm0, v3, v1  }
0x72: {  	v0 =	vsel vm1, v60, v1;
	vm0 =	vlt.s32 v3, v2  }
0x73: {  	vm1 =	vgt.s32 v0, v2;
	v61 =	vsel vm0, v3, v2  }
0x74: {  	v0 =	vsel vm1, v0, v2;
	v1 =	vxor.u32 $0x80000000, v61  }
0x75: {  	v0 =	vxor.u32 $0x80000000, v0;
	(xrf0) =	vmin.scan.msk.u32 $0xffff, v1  }
0x76: {  	(xrf0) =	vmax.scan.msk.u32 $0xffff, v0;
	_ =	sdelay $0x4  }
0x77: {  	v62, _, _ =	vpop (xrf0)  }
0x78: {  	(v2sf) =	vpush v62, $0xF;
	v63, _, _ =	vpop (xrf0)  }
0x79: {  	(v2sf) =	vpush v63, $0xF;
	_ =	sdelay $0xd  }
0x7a: {  	s3 =	spop (v2sf)  }
0x7b: {  	s4 =	spop (v2sf)  }
0x7c: {  	s2 =	sxor.u32 s3, s4  }
0x7d: {  	p1 =	sgt.s32 s2, $0x1  }
0x7e: {  	p2 =	slt.s32 s2, $0x0;
	s2 =	simm.s32 @!p1 $0x1  }
0x7f: {  	s2 =	scvt.s32.f32 s2;
	_ =	sdelay $0x1  }
0x80: {  	s2 =	sshrl.u32 s2, $0x17  }
0x81: {  	s2 =	sadd.s32 $0xFFFFFF82, s2  }
0x82: {  	p1 =	seq.s32 s3, s4;
	s2 =	simm.s32 @p2 $0x20  }
0x83: {  	s2 =	simm.s32 @p1 $0x0  }
0x84: {  	p1 =	slt.s32 s2, $0x1F;
	s3 =	smov.u32 s2  }
0x85: {  	s5 =	simm.s32 $0xFFFFFFFF;
	s3 =	simm.s32 @!p1 $0x1F  }
0x86: {  	p1 =	sgt.s32 s2, $0x1F;
	s3 =	sshll.u32 s5, s3  }
0x87: {  	s3 =	simm.s32 @p1 $0x0;
	p1 =	slt.s32 s2, $0x1  }
.Ltmp3:
0x88: {  	_ = 	snop;
	(pc) =	sbr.rel @p1 .LBB2_10-.Ltmp3, $2  }
0x89: {  	_ =	sdelay $0x2  }
0x8a: {  	s3 =	sand.u32 s4, s3  }
0x8b: {  	s4 =	simm.s32 $0x0;
	s5 =	simm.s32 $0x1;
	v0 =	vimm.s32 $0x0  }
.LBB2_7:
0x8c: {  	s6 =	sxor.u32 $0xFFFFFFFF, s4;
	s8 =	simm.s32 $0x1080  }
0x8d: {  	s6 =	sadd.s32 s6, s2;
	v2 =	vld [tilespmem:s8+$0xFFFFFF80]  }
0x8e: {  	v3 =	vld [tilespmem:s8+$0xFFFFFF90];
	s6 =	sshll.u32 s5, s6  }
0x8f: {  	v4 =	vld [tilespmem:s8+$0xFFFFFFA0];
	s6 =	sor.u32 s3, s6  }
0x90: {  	v5 =	vld [tilespmem:s8+$0xFFFFFFB0];
	s7 =	sxor.u32 $0x80000000, s6  }
0x91: {  	v6 =	vld [tilespmem:s8+$0xFFFFFFC0];
	v1 =	vmov s7  }
0x92: {  	vm0 =	vge.s32 v2, v1;
	v2 =	vld [tilespmem:s8+$0xFFFFFFD0]  }
0x93: {  	v7 =	vsel vm0, $0x1, v0;
	vm0 =	vge.s32 v3, v1;
	v3 =	vld [tilespmem:s8+$0xFFFFFFE0]  }
0x94: {  	v7 =	vadd.s32 v7, v0;
	v8 =	vsel vm0, $0x1, v0;
	vm0 =	vge.s32 v4, v1;
	v4 =	vld [tilespmem:s8+$0xFFFFFFF0]  }
0x95: {  	v7 =	vadd.s32 v8, v7;
	v8 =	vsel vm0, $0x1, v0;
	vm0 =	vge.s32 v5, v1;
	v5 =	vld [tilespmem:s8+$0x0]  }
0x96: {  	v7 =	vadd.s32 v8, v7;
	v8 =	vsel vm0, $0x1, v0;
	vm0 =	vge.s32 v6, v1;
	v6 =	vld [tilespmem:s8+$0x10]  }
0x97: {  	v9 =	vld [tilespmem:s8+$0x20];
	v7 =	vadd.s32 v8, v7;
	v8 =	vsel vm0, $0x1, v0;
	vm0 =	vge.s32 v2, v1  }
0x98: {  	v2 =	vld [tilespmem:s8+$0x30];
	v7 =	vadd.s32 v8, v7;
	v8 =	vsel vm0, $0x1, v0;
	vm0 =	vge.s32 v3, v1  }
0x99: {  	v3 =	vld [tilespmem:s8+$0x40];
	v7 =	vadd.s32 v8, v7;
	v8 =	vsel vm0, $0x1, v0;
	vm0 =	vge.s32 v4, v1  }
0x9a: {  	v4 =	vld [tilespmem:s8+$0x50];
	v7 =	vadd.s32 v8, v7;
	v8 =	vsel vm0, $0x1, v0;
	vm0 =	vge.s32 v5, v1  }
0x9b: {  	v5 =	vld [tilespmem:s8+$0x60];
	v7 =	vadd.s32 v8, v7;
	v8 =	vsel vm0, $0x1, v0;
	vm0 =	vge.s32 v6, v1  }
0x9c: {  	s7 =	simm.s32 $0x0;
	v6 =	vld [tilespmem:s8+$0x70];
	s8 =	simm.s32 $0x1180;
	v7 =	vadd.s32 v8, v7;
	v8 =	vsel vm0, $0x1, v0;
	vm0 =	vge.s32 v9, v1  }
.LBB2_8:
0x9d: {  	v9 =	vld [tilespmem:s8+$0xFFFFFF80];
	s7 =	sadd.s32 $0x10, s7;
	v7 =	vadd.s32 v8, v7;
	v8 =	vsel vm0, $0x1, v0;
	vm0 =	vge.s32 v2, v1  }
0x9e: {  	v2 =	vld [tilespmem:s8+$0xFFFFFF90];
	p1 =	slt.u32 s7, $0xF0;
	v7 =	vadd.s32 v8, v7;
	v8 =	vsel vm0, $0x1, v0;
	vm0 =	vge.s32 v3, v1  }
0x9f: {  	v3 =	vld [tilespmem:s8+$0xFFFFFFA0];
	v7 =	vadd.s32 v8, v7;
	v8 =	vsel vm0, $0x1, v0;
	vm0 =	vge.s32 v4, v1  }
0xa0: {  	v4 =	vld [tilespmem:s8+$0xFFFFFFB0];
	v7 =	vadd.s32 v8, v7;
	v8 =	vsel vm0, $0x1, v0;
	vm0 =	vge.s32 v5, v1  }
0xa1: {  	v5 =	vld [tilespmem:s8+$0xFFFFFFC0];
	v7 =	vadd.s32 v8, v7;
	v8 =	vsel vm0, $0x1, v0;
	vm0 =	vge.s32 v6, v1  }
0xa2: {  	vm1 =	vge.s32 v9, v1;
	v6 =	vld [tilespmem:s8+$0xFFFFFFD0];
	v7 =	vadd.s32 v8, v7;
	v8 =	vsel vm0, $0x1, v0  }
0xa3: {  	v9 =	vsel vm1, $0x1, v0;
	vm0 =	vge.s32 v2, v1;
	v2 =	vld [tilespmem:s8+$0xFFFFFFE0];
	v7 =	vadd.s32 v8, v7  }
0xa4: {  	v7 =	vadd.s32 v9, v7;
	v8 =	vsel vm0, $0x1, v0;
	vm0 =	vge.s32 v3, v1;
	v3 =	vld [tilespmem:s8+$0xFFFFFFF0]  }
0xa5: {  	v7 =	vadd.s32 v8, v7;
	v8 =	vsel vm0, $0x1, v0;
	vm0 =	vge.s32 v4, v1;
	v4 =	vld [tilespmem:s8+$0x0]  }
0xa6: {  	v7 =	vadd.s32 v8, v7;
	v8 =	vsel vm0, $0x1, v0;
	vm0 =	vge.s32 v5, v1;
	v5 =	vld [tilespmem:s8+$0x10]  }
0xa7: {  	v7 =	vadd.s32 v8, v7;
	v8 =	vsel vm0, $0x1, v0;
	vm0 =	vge.s32 v6, v1;
	v6 =	vld [tilespmem:s8+$0x20]  }
.Ltmp4:
0xa8: {  	v7 =	vadd.s32 v8, v7;
	v8 =	vsel vm0, $0x1, v0;
	vm0 =	vge.s32 v2, v1;
	v2 =	vld [tilespmem:s8+$0x30];
	(pc) =	sbr.rel @p1 .LBB2_8-.Ltmp4, $4  }
0xa9: {  	v7 =	vadd.s32 v8, v7;
	v8 =	vsel vm0, $0x1, v0;
	vm0 =	vge.s32 v3, v1;
	v3 =	vld [tilespmem:s8+$0x40]  }
0xaa: {  	v7 =	vadd.s32 v8, v7;
	v8 =	vsel vm0, $0x1, v0;
	vm0 =	vge.s32 v4, v1;
	v4 =	vld [tilespmem:s8+$0x50]  }
0xab: {  	v7 =	vadd.s32 v8, v7;
	v8 =	vsel vm0, $0x1, v0;
	vm0 =	vge.s32 v5, v1;
	v5 =	vld [tilespmem:s8+$0x60]  }
0xac: {  	v7 =	vadd.s32 v8, v7;
	v8 =	vsel vm0, $0x1, v0;
	vm0 =	vge.s32 v6, v1;
	v6 =	vld [tilespmem:s8+$0x70];
	s8 =	sadd.s32 $0x100, s8  }
0xad: {  	v7 =	vadd.s32 v8, v7;
	v62 =	vsel vm0, $0x1, v0;
	vm11 =	vge.s32 v2, v1  }
0xae: {  	v2 =	vadd.s32 v62, v7;
	v63 =	vsel vm11, $0x1, v0;
	vm12 =	vge.s32 v3, v1  }
0xaf: {  	v2 =	vadd.s32 v63, v2;
	v3 =	vsel vm12, $0x1, v0;
	vm13 =	vge.s32 v4, v1  }
0xb0: {  	v2 =	vadd.s32 v3, v2;
	v3 =	vsel vm13, $0x1, v0;
	vm14 =	vge.s32 v5, v1  }
0xb1: {  	v2 =	vadd.s32 v3, v2;
	v3 =	vsel vm14, $0x1, v0;
	vm15 =	vge.s32 v6, v1  }
0xb2: {  	v1 =	vadd.s32 v3, v2;
	v2 =	vsel vm15, $0x1, v0  }
0xb3: {  	v1 =	vadd.s32 v2, v1  }
0xb4: {  	(xrf0) =	vadd.scan.msk.s32 $0xffff, v1;
	_ =	sdelay $0x5  }
0xb5: {  	v1, _, _ =	vpop (xrf0)  }
0xb6: {  	(v2sf) =	vpush v1, $0xF;
	_ =	sdelay $0xa  }
0xb7: {  	s4 =	sadd.s32 $0x1, s4  }
0xb8: {  	p2 =	sne.s32 s4, s2  }
.Ltmp5:
0xb9: {  	_ = 	snop;
	(pc) =	sbr.rel @p2 .LBB2_7-.Ltmp5, $4  }
0xba: {  	_ = 	snop  }
0xbb: {  	s7 =	spop (v2sf)  }
0xbc: {  	p1 =	sgt.s32 s7, $0x332  }
0xbd: {  	s3 =	smov.u32 @p1 s6  }
.LBB2_10:
0xbe: {  	s4 =	simm.s32 $0x1080  }
0xbf: {  	v2 =	vld [tilespmem:s4+$0xFFFFFF80]  }
0xc0: {  	v3 =	vld [tilespmem:s4+$0xFFFFFF90]  }
0xc1: {  	v4 =	vld [tilespmem:s4+$0xFFFFFFA0]  }
0xc2: {  	s2 =	sxor.u32 $0x80000000, s3;
	v5 =	vld [tilespmem:s4+$0xFFFFFFB0]  }
0xc3: {  	v0 =	vmov s2;
	v6 =	vld [tilespmem:s4+$0xFFFFFFC0]  }
0xc4: {  	v1 =	vimm.s32 $0x0;
	vm0 =	vgt.s32 v2, v0;
	v2 =	vld [tilespmem:s4+$0xFFFFFFD0]  }
0xc5: {  	v7 =	vsel vm0, $0x1, v1;
	vm0 =	vgt.s32 v3, v0;
	v3 =	vld [tilespmem:s4+$0xFFFFFFE0]  }
0xc6: {  	v7 =	vadd.s32 v7, v1;
	v8 =	vsel vm0, $0x1, v1;
	vm0 =	vgt.s32 v4, v0;
	v4 =	vld [tilespmem:s4+$0xFFFFFFF0]  }
0xc7: {  	v7 =	vadd.s32 v8, v7;
	v8 =	vsel vm0, $0x1, v1;
	vm0 =	vgt.s32 v5, v0;
	v5 =	vld [tilespmem:s4+$0x0]  }
0xc8: {  	v7 =	vadd.s32 v8, v7;
	v8 =	vsel vm0, $0x1, v1;
	vm0 =	vgt.s32 v6, v0;
	v6 =	vld [tilespmem:s4+$0x10]  }
0xc9: {  	v9 =	vld [tilespmem:s4+$0x20];
	v7 =	vadd.s32 v8, v7;
	v8 =	vsel vm0, $0x1, v1;
	vm0 =	vgt.s32 v2, v0  }
0xca: {  	v2 =	vld [tilespmem:s4+$0x30];
	v7 =	vadd.s32 v8, v7;
	v8 =	vsel vm0, $0x1, v1;
	vm0 =	vgt.s32 v3, v0  }
0xcb: {  	v3 =	vld [tilespmem:s4+$0x40];
	v7 =	vadd.s32 v8, v7;
	v8 =	vsel vm0, $0x1, v1;
	vm0 =	vgt.s32 v4, v0  }
0xcc: {  	v4 =	vld [tilespmem:s4+$0x50];
	v7 =	vadd.s32 v8, v7;
	v8 =	vsel vm0, $0x1, v1;
	vm0 =	vgt.s32 v5, v0  }
0xcd: {  	v5 =	vld [tilespmem:s4+$0x60];
	v7 =	vadd.s32 v8, v7;
	v8 =	vsel vm0, $0x1, v1;
	vm0 =	vgt.s32 v6, v0  }
0xce: {  	s3 =	simm.s32 $0x1180;
	s2 =	simm.s32 $0x0;
	v6 =	vld [tilespmem:s4+$0x70];
	v7 =	vadd.s32 v8, v7;
	v8 =	vsel vm0, $0x1, v1;
	vm0 =	vgt.s32 v9, v0  }
.LBB2_11:
0xcf: {  	v9 =	vld [tilespmem:s3+$0xFFFFFF80];
	s2 =	sadd.s32 $0x10, s2;
	v7 =	vadd.s32 v8, v7;
	v8 =	vsel vm0, $0x1, v1;
	vm0 =	vgt.s32 v2, v0  }
0xd0: {  	v2 =	vld [tilespmem:s3+$0xFFFFFF90];
	p1 =	slt.u32 s2, $0xF0;
	v7 =	vadd.s32 v8, v7;
	v8 =	vsel vm0, $0x1, v1;
	vm0 =	vgt.s32 v3, v0  }
0xd1: {  	v3 =	vld [tilespmem:s3+$0xFFFFFFA0];
	v7 =	vadd.s32 v8, v7;
	v8 =	vsel vm0, $0x1, v1;
	vm0 =	vgt.s32 v4, v0  }
0xd2: {  	v4 =	vld [tilespmem:s3+$0xFFFFFFB0];
	v7 =	vadd.s32 v8, v7;
	v8 =	vsel vm0, $0x1, v1;
	vm0 =	vgt.s32 v5, v0  }
0xd3: {  	v5 =	vld [tilespmem:s3+$0xFFFFFFC0];
	v7 =	vadd.s32 v8, v7;
	v8 =	vsel vm0, $0x1, v1;
	vm0 =	vgt.s32 v6, v0  }
0xd4: {  	vm1 =	vgt.s32 v9, v0;
	v6 =	vld [tilespmem:s3+$0xFFFFFFD0];
	v7 =	vadd.s32 v8, v7;
	v8 =	vsel vm0, $0x1, v1  }
0xd5: {  	v9 =	vsel vm1, $0x1, v1;
	vm0 =	vgt.s32 v2, v0;
	v2 =	vld [tilespmem:s3+$0xFFFFFFE0];
	v7 =	vadd.s32 v8, v7  }
0xd6: {  	v7 =	vadd.s32 v9, v7;
	v8 =	vsel vm0, $0x1, v1;
	vm0 =	vgt.s32 v3, v0;
	v3 =	vld [tilespmem:s3+$0xFFFFFFF0]  }
0xd7: {  	v7 =	vadd.s32 v8, v7;
	v8 =	vsel vm0, $0x1, v1;
	vm0 =	vgt.s32 v4, v0;
	v4 =	vld [tilespmem:s3+$0x0]  }
0xd8: {  	v7 =	vadd.s32 v8, v7;
	v8 =	vsel vm0, $0x1, v1;
	vm0 =	vgt.s32 v5, v0;
	v5 =	vld [tilespmem:s3+$0x10]  }
0xd9: {  	v7 =	vadd.s32 v8, v7;
	v8 =	vsel vm0, $0x1, v1;
	vm0 =	vgt.s32 v6, v0;
	v6 =	vld [tilespmem:s3+$0x20]  }
.Ltmp6:
0xda: {  	v7 =	vadd.s32 v8, v7;
	v8 =	vsel vm0, $0x1, v1;
	vm0 =	vgt.s32 v2, v0;
	v2 =	vld [tilespmem:s3+$0x30];
	(pc) =	sbr.rel @p1 .LBB2_11-.Ltmp6, $4  }
0xdb: {  	v7 =	vadd.s32 v8, v7;
	v8 =	vsel vm0, $0x1, v1;
	vm0 =	vgt.s32 v3, v0;
	v3 =	vld [tilespmem:s3+$0x40]  }
0xdc: {  	v7 =	vadd.s32 v8, v7;
	v8 =	vsel vm0, $0x1, v1;
	vm0 =	vgt.s32 v4, v0;
	v4 =	vld [tilespmem:s3+$0x50]  }
0xdd: {  	v7 =	vadd.s32 v8, v7;
	v8 =	vsel vm0, $0x1, v1;
	vm0 =	vgt.s32 v5, v0;
	v5 =	vld [tilespmem:s3+$0x60]  }
0xde: {  	v7 =	vadd.s32 v8, v7;
	v8 =	vsel vm0, $0x1, v1;
	vm0 =	vgt.s32 v6, v0;
	v6 =	vld [tilespmem:s3+$0x70];
	s3 =	sadd.s32 $0x100, s3  }
0xdf: {  	v7 =	vadd.s32 v8, v7;
	v63 =	vsel vm0, $0x1, v1;
	vm0 =	vgt.s32 v2, v0  }
0xe0: {  	v2 =	vadd.s32 v63, v7;
	v7 =	vsel vm0, $0x1, v1;
	vm0 =	vgt.s32 v3, v0  }
0xe1: {  	v2 =	vadd.s32 v7, v2;
	v3 =	vsel vm0, $0x1, v1;
	vm0 =	vgt.s32 v4, v0  }
0xe2: {  	v2 =	vadd.s32 v3, v2;
	v3 =	vsel vm0, $0x1, v1;
	vm0 =	vgt.s32 v5, v0  }
0xe3: {  	v2 =	vadd.s32 v3, v2;
	v3 =	vsel vm0, $0x1, v1;
	vm0 =	vgt.s32 v6, v0  }
0xe4: {  	v2 =	vadd.s32 v3, v2;
	v1 =	vsel vm0, $0x1, v1  }
0xe5: {  	v1 =	vadd.s32 v1, v2  }
0xe6: {  	(xrf0) =	vadd.scan.msk.s32 $0xffff, v1;
	_ =	sdelay $0x5  }
0xe7: {  	v1, _, _ =	vpop (xrf0)  }
0xe8: {  	(v2sf) =	vpush v1, $0xF;
	_ =	sdelay $0x1  }
0xe9: {  	s3 =	simm.s32 $0x1040  }
0xea: {  	v3 =	vld [tilespmem:s3+$0xFFFFFFC0];
	_ =	sdelay $0x4  }
0xeb: {  	vm0 =	veq.s32 v3, v0;
	v1 =	vimm.s32 $0x0  }
0xec: {  	v2 =	vsel vm0, $0x1, v1  }
0xed: {  	(xrf0) =	vadd.scan.msk.s32 $0xffff, v2;
	_ =	sdelay $0x4  }
0xee: {  	s4 =	simm.s32 $0x0;
	v2 =	vsel vm0, $0xFFFFFFFF, v1;
	s2 =	spop (v2sf)  }
0xef: {  	v4 =	vadd.s32 s4, v2;
	v5, _, _ =	vpop (xrf0);
	s2 =	ssub.s32 $0x333, s2  }
0xf0: {  	v4 =	vadd.s32 v5, v4;
	v2 =	vmov s2  }
0xf1: {  	vm1 =	vlt.s32 v4, v2  }
0xf2: {  	vm2 =	vgt.s32 v3, v0;
	vm0 =	vmand vm0, vm1  }
0xf3: {  	v3 =	vimm.f32 $0.0e+00;
	vm0 =	vmor vm2, vm0  }
0xf4: {  	(v2sf) =	vpush v5, $0xF;
	s2 =	simm.s32 $0x2040;
	v4 =	vsel vm0, $0x3F800000, v3  }
0xf5: {  	[tilespmem:s2+$0xFFFFFFC0] =	vst v4  }
0xf6: {  	v4 =	vld [tilespmem:s3+$0xFFFFFFD0];
	_ =	sdelay $0x4  }
0xf7: {  	vm0 =	veq.s32 v4, v0  }
0xf8: {  	v5 =	vsel vm0, $0x1, v1  }
0xf9: {  	(xrf0) =	vadd.scan.msk.s32 $0xffff, v5;
	_ =	sdelay $0x5  }
0xfa: {  	s25 =	spop (v2sf);
	v5 =	vsel vm0, $0xFFFFFFFF, v1;
	v6, _, _ =	vpop (xrf0)  }
0xfb: {  	s4 =	sadd.s32 $0x0, s25;
	v5 =	vadd.s32 v5, v6  }
0xfc: {  	v5 =	vadd.s32 s4, v5  }
0xfd: {  	vm1 =	vlt.s32 v5, v2  }
0xfe: {  	vm2 =	vgt.s32 v4, v0;
	vm0 =	vmand vm0, vm1  }
0xff: {  	vm0 =	vmor vm2, vm0  }
0x100: {  	(v2sf) =	vpush v6, $0xF;
	v4 =	vsel vm0, $0x3F800000, v3  }
0x101: {  	[tilespmem:s2+$0xFFFFFFD0] =	vst v4  }
0x102: {  	v4 =	vld [tilespmem:s3+$0xFFFFFFE0];
	_ =	sdelay $0x4  }
0x103: {  	vm0 =	veq.s32 v4, v0  }
0x104: {  	v5 =	vsel vm0, $0x1, v1  }
0x105: {  	(xrf0) =	vadd.scan.msk.s32 $0xffff, v5;
	_ =	sdelay $0x5  }
0x106: {  	v5 =	vsel vm0, $0xFFFFFFFF, v1;
	s5 =	spop (v2sf);
	v6, _, _ =	vpop (xrf0)  }
0x107: {  	s4 =	sadd.s32 s4, s5;
	v5 =	vadd.s32 v5, v6  }
0x108: {  	v5 =	vadd.s32 s4, v5  }
0x109: {  	vm1 =	vlt.s32 v5, v2  }
0x10a: {  	vm2 =	vgt.s32 v4, v0;
	vm0 =	vmand vm0, vm1  }
0x10b: {  	vm0 =	vmor vm2, vm0  }
0x10c: {  	(v2sf) =	vpush v6, $0xF;
	v4 =	vsel vm0, $0x3F800000, v3  }
0x10d: {  	[tilespmem:s2+$0xFFFFFFE0] =	vst v4  }
0x10e: {  	v4 =	vld [tilespmem:s3+$0xFFFFFFF0];
	_ =	sdelay $0x4  }
0x10f: {  	vm0 =	veq.s32 v4, v0  }
0x110: {  	v5 =	vsel vm0, $0x1, v1  }
0x111: {  	(xrf0) =	vadd.scan.msk.s32 $0xffff, v5;
	_ =	sdelay $0x5  }
0x112: {  	v5 =	vsel vm0, $0xFFFFFFFF, v1;
	s26 =	spop (v2sf);
	v6, _, _ =	vpop (xrf0)  }
0x113: {  	s4 =	sadd.s32 s4, s26;
	v5 =	vadd.s32 v5, v6  }
0x114: {  	v5 =	vadd.s32 s4, v5  }
0x115: {  	vm1 =	vlt.s32 v5, v2  }
0x116: {  	vm2 =	vgt.s32 v4, v0;
	vm0 =	vmand vm0, vm1  }
0x117: {  	vm0 =	vmor vm2, vm0  }
0x118: {  	(v2sf) =	vpush v6, $0xF;
	v4 =	vsel vm0, $0x3F800000, v3  }
0x119: {  	[tilespmem:s2+$0xFFFFFFF0] =	vst v4  }
0x11a: {  	v4 =	vld [tilespmem:s3+$0x0];
	_ =	sdelay $0x4  }
0x11b: {  	vm0 =	veq.s32 v4, v0  }
0x11c: {  	v5 =	vsel vm0, $0x1, v1  }
0x11d: {  	(xrf0) =	vadd.scan.msk.s32 $0xffff, v5;
	_ =	sdelay $0x5  }
0x11e: {  	v5 =	vsel vm0, $0xFFFFFFFF, v1;
	s28 =	spop (v2sf);
	v6, _, _ =	vpop (xrf0)  }
0x11f: {  	s4 =	sadd.s32 s4, s28;
	v5 =	vadd.s32 v5, v6  }
0x120: {  	v5 =	vadd.s32 s4, v5  }
0x121: {  	vm1 =	vlt.s32 v5, v2  }
0x122: {  	vm2 =	vgt.s32 v4, v0;
	vm0 =	vmand vm0, vm1  }
0x123: {  	vm0 =	vmor vm2, vm0  }
0x124: {  	(v2sf) =	vpush v6, $0xF;
	v4 =	vsel vm0, $0x3F800000, v3  }
0x125: {  	[tilespmem:s2+$0x0] =	vst v4  }
0x126: {  	v4 =	vld [tilespmem:s3+$0x10];
	_ =	sdelay $0x4  }
0x127: {  	vm0 =	veq.s32 v4, v0  }
0x128: {  	v5 =	vsel vm0, $0x1, v1  }
0x129: {  	(xrf0) =	vadd.scan.msk.s32 $0xffff, v5;
	_ =	sdelay $0x5  }
0x12a: {  	v5 =	vsel vm0, $0xFFFFFFFF, v1;
	s29 =	spop (v2sf);
	v6, _, _ =	vpop (xrf0)  }
0x12b: {  	s4 =	sadd.s32 s4, s29;
	v5 =	vadd.s32 v5, v6  }
0x12c: {  	v5 =	vadd.s32 s4, v5  }
0x12d: {  	vm1 =	vlt.s32 v5, v2  }
0x12e: {  	vm2 =	vgt.s32 v4, v0;
	vm0 =	vmand vm0, vm1  }
0x12f: {  	vm0 =	vmor vm2, vm0  }
0x130: {  	(v2sf) =	vpush v6, $0xF;
	v4 =	vsel vm0, $0x3F800000, v3  }
0x131: {  	[tilespmem:s2+$0x10] =	vst v4  }
0x132: {  	v4 =	vld [tilespmem:s3+$0x20];
	_ =	sdelay $0x4  }
0x133: {  	vm0 =	veq.s32 v4, v0  }
0x134: {  	v5 =	vsel vm0, $0x1, v1  }
0x135: {  	(xrf0) =	vadd.scan.msk.s32 $0xffff, v5;
	_ =	sdelay $0x5  }
0x136: {  	v5 =	vsel vm0, $0xFFFFFFFF, v1;
	s30 =	spop (v2sf);
	v6, _, _ =	vpop (xrf0)  }
0x137: {  	s4 =	sadd.s32 s4, s30;
	v5 =	vadd.s32 v5, v6  }
0x138: {  	v5 =	vadd.s32 s4, v5  }
0x139: {  	vm1 =	vlt.s32 v5, v2  }
0x13a: {  	vm2 =	vgt.s32 v4, v0;
	vm0 =	vmand vm0, vm1  }
0x13b: {  	vm0 =	vmor vm2, vm0  }
0x13c: {  	(v2sf) =	vpush v6, $0xF;
	v4 =	vsel vm0, $0x3F800000, v3  }
0x13d: {  	[tilespmem:s2+$0x20] =	vst v4  }
0x13e: {  	v4 =	vld [tilespmem:s3+$0x30];
	_ =	sdelay $0x4  }
0x13f: {  	vm0 =	veq.s32 v4, v0  }
0x140: {  	v5 =	vsel vm0, $0x1, v1  }
0x141: {  	(xrf0) =	vadd.scan.msk.s32 $0xffff, v5;
	_ =	sdelay $0x5  }
0x142: {  	v6 =	vsel vm0, $0xFFFFFFFF, v1;
	s31 =	spop (v2sf);
	v5, _, _ =	vpop (xrf0)  }
0x143: {  	s5 =	sadd.s32 s4, s31;
	(v2sf) =	vpush v5, $0xF;
	v5 =	vadd.s32 v6, v5  }
0x144: {  	v5 =	vadd.s32 s5, v5  }
0x145: {  	vm1 =	vlt.s32 v5, v2  }
0x146: {  	vm2 =	vgt.s32 v4, v0;
	vm0 =	vmand vm0, vm1  }
0x147: {  	vm0 =	vmor vm2, vm0  }
0x148: {  	v4 =	vsel vm0, $0x3F800000, v3  }
0x149: {  	s3 =	simm.s32 $0x10C0;
	[tilespmem:s2+$0x30] =	vst v4  }
0x14a: {  	v4 =	vld [tilespmem:s3+$0xFFFFFFC0];
	_ =	sdelay $0x4  }
0x14b: {  	vm0 =	veq.s32 v4, v0  }
0x14c: {  	v5 =	vsel vm0, $0x1, v1  }
0x14d: {  	(xrf0) =	vadd.scan.msk.s32 $0xffff, v5  }
0x14e: {  	s4 =	simm.s32 $0x8;
	s6 =	spop (v2sf)  }
.LBB2_13:
0x14f: {  	s4 =	sadd.s32 $0x8, s4;
	s5 =	sadd.s32 s5, s6;
	s2 =	sadd.s32 $0x80, s2  }
0x150: {  	p1 =	slt.u32 s4, $0xF8;
	_ =	sdelay $0x1  }
0x151: {  	v5 =	vsel vm0, $0xFFFFFFFF, v1  }
0x152: {  	v5 =	vadd.s32 s5, v5;
	v6, _, _ =	vpop (xrf0)  }
0x153: {  	v5 =	vadd.s32 v6, v5;
	(v2sf) =	vpush v6, $0xF  }
0x154: {  	vm1 =	vlt.s32 v5, v2  }
0x155: {  	vm2 =	vgt.s32 v4, v0;
	vm0 =	vmand vm0, vm1  }
0x156: {  	vm0 =	vmor vm2, vm0  }
0x157: {  	v4 =	vsel vm0, $0x3F800000, v3  }
0x158: {  	[tilespmem:s2+$0xFFFFFFC0] =	vst v4  }
0x159: {  	v4 =	vld [tilespmem:s3+$0xFFFFFFD0];
	_ =	sdelay $0x4  }
0x15a: {  	vm0 =	veq.s32 v4, v0  }
0x15b: {  	v5 =	vsel vm0, $0x1, v1  }
0x15c: {  	(xrf0) =	vadd.scan.msk.s32 $0xffff, v5;
	_ =	sdelay $0x1  }
0x15d: {  	s6 =	spop (v2sf);
	_ =	sdelay $0x3  }
0x15e: {  	v5 =	vsel vm0, $0xFFFFFFFF, v1;
	v6, _, _ =	vpop (xrf0)  }
0x15f: {  	s5 =	sadd.s32 s5, s6;
	v5 =	vadd.s32 v5, v6;
	(v2sf) =	vpush v6, $0xF  }
0x160: {  	v5 =	vadd.s32 s5, v5  }
0x161: {  	vm1 =	vlt.s32 v5, v2  }
0x162: {  	vm2 =	vgt.s32 v4, v0;
	vm0 =	vmand vm0, vm1  }
0x163: {  	vm0 =	vmor vm2, vm0  }
0x164: {  	v4 =	vsel vm0, $0x3F800000, v3  }
0x165: {  	[tilespmem:s2+$0xFFFFFFD0] =	vst v4  }
0x166: {  	v4 =	vld [tilespmem:s3+$0xFFFFFFE0];
	_ =	sdelay $0x4  }
0x167: {  	vm0 =	veq.s32 v4, v0  }
0x168: {  	v5 =	vsel vm0, $0x1, v1  }
0x169: {  	(xrf0) =	vadd.scan.msk.s32 $0xffff, v5  }
0x16a: {  	s6 =	spop (v2sf)  }
0x16b: {  	s5 =	sadd.s32 s5, s6;
	_ =	sdelay $0x3  }
0x16c: {  	v5 =	vsel vm0, $0xFFFFFFFF, v1;
	v6, _, _ =	vpop (xrf0)  }
0x16d: {  	v5 =	vadd.s32 v5, v6;
	(v2sf) =	vpush v6, $0xF  }
0x16e: {  	v5 =	vadd.s32 s5, v5  }
0x16f: {  	vm1 =	vlt.s32 v5, v2  }
0x170: {  	vm2 =	vgt.s32 v4, v0;
	vm0 =	vmand vm0, vm1  }
0x171: {  	vm0 =	vmor vm2, vm0  }
0x172: {  	v4 =	vsel vm0, $0x3F800000, v3  }
0x173: {  	[tilespmem:s2+$0xFFFFFFE0] =	vst v4  }
0x174: {  	v4 =	vld [tilespmem:s3+$0xFFFFFFF0];
	_ =	sdelay $0x4  }
0x175: {  	vm0 =	veq.s32 v4, v0  }
0x176: {  	v5 =	vsel vm0, $0x1, v1  }
0x177: {  	(xrf0) =	vadd.scan.msk.s32 $0xffff, v5  }
0x178: {  	s6 =	spop (v2sf)  }
0x179: {  	s5 =	sadd.s32 s5, s6;
	_ =	sdelay $0x3  }
0x17a: {  	v5 =	vsel vm0, $0xFFFFFFFF, v1;
	v6, _, _ =	vpop (xrf0)  }
0x17b: {  	v5 =	vadd.s32 v5, v6;
	(v2sf) =	vpush v6, $0xF  }
0x17c: {  	v5 =	vadd.s32 s5, v5  }
0x17d: {  	vm1 =	vlt.s32 v5, v2  }
0x17e: {  	vm2 =	vgt.s32 v4, v0;
	vm0 =	vmand vm0, vm1  }
0x17f: {  	vm0 =	vmor vm2, vm0  }
0x180: {  	v4 =	vsel vm0, $0x3F800000, v3  }
0x181: {  	[tilespmem:s2+$0xFFFFFFF0] =	vst v4  }
0x182: {  	v4 =	vld [tilespmem:s3+$0x0];
	_ =	sdelay $0x4  }
0x183: {  	vm0 =	veq.s32 v4, v0  }
0x184: {  	v5 =	vsel vm0, $0x1, v1  }
0x185: {  	(xrf0) =	vadd.scan.msk.s32 $0xffff, v5  }
0x186: {  	s6 =	spop (v2sf)  }
0x187: {  	s5 =	sadd.s32 s5, s6;
	_ =	sdelay $0x3  }
0x188: {  	v5 =	vsel vm0, $0xFFFFFFFF, v1;
	v6, _, _ =	vpop (xrf0)  }
0x189: {  	v5 =	vadd.s32 v5, v6;
	(v2sf) =	vpush v6, $0xF  }
0x18a: {  	v5 =	vadd.s32 s5, v5  }
0x18b: {  	vm1 =	vlt.s32 v5, v2  }
0x18c: {  	vm2 =	vgt.s32 v4, v0;
	vm0 =	vmand vm0, vm1  }
0x18d: {  	vm0 =	vmor vm2, vm0  }
0x18e: {  	v4 =	vsel vm0, $0x3F800000, v3  }
0x18f: {  	[tilespmem:s2+$0x0] =	vst v4  }
0x190: {  	v4 =	vld [tilespmem:s3+$0x10];
	_ =	sdelay $0x4  }
0x191: {  	vm0 =	veq.s32 v4, v0  }
0x192: {  	v5 =	vsel vm0, $0x1, v1  }
0x193: {  	(xrf0) =	vadd.scan.msk.s32 $0xffff, v5  }
0x194: {  	s6 =	spop (v2sf)  }
0x195: {  	s5 =	sadd.s32 s5, s6;
	_ =	sdelay $0x3  }
0x196: {  	v5 =	vsel vm0, $0xFFFFFFFF, v1;
	v6, _, _ =	vpop (xrf0)  }
0x197: {  	v5 =	vadd.s32 v5, v6;
	(v2sf) =	vpush v6, $0xF  }
0x198: {  	v5 =	vadd.s32 s5, v5  }
0x199: {  	vm1 =	vlt.s32 v5, v2  }
0x19a: {  	vm2 =	vgt.s32 v4, v0;
	vm0 =	vmand vm0, vm1  }
0x19b: {  	vm0 =	vmor vm2, vm0  }
0x19c: {  	v4 =	vsel vm0, $0x3F800000, v3  }
0x19d: {  	[tilespmem:s2+$0x10] =	vst v4  }
0x19e: {  	v4 =	vld [tilespmem:s3+$0x20];
	_ =	sdelay $0x4  }
0x19f: {  	vm0 =	veq.s32 v4, v0  }
0x1a0: {  	v5 =	vsel vm0, $0x1, v1  }
0x1a1: {  	(xrf0) =	vadd.scan.msk.s32 $0xffff, v5  }
0x1a2: {  	s6 =	spop (v2sf)  }
0x1a3: {  	s5 =	sadd.s32 s5, s6;
	_ =	sdelay $0x3  }
0x1a4: {  	v5 =	vsel vm0, $0xFFFFFFFF, v1;
	v6, _, _ =	vpop (xrf0)  }
0x1a5: {  	v5 =	vadd.s32 v5, v6;
	(v2sf) =	vpush v6, $0xF  }
0x1a6: {  	v5 =	vadd.s32 s5, v5  }
0x1a7: {  	vm1 =	vlt.s32 v5, v2  }
0x1a8: {  	vm2 =	vgt.s32 v4, v0;
	vm0 =	vmand vm0, vm1  }
0x1a9: {  	vm0 =	vmor vm2, vm0  }
0x1aa: {  	v4 =	vsel vm0, $0x3F800000, v3  }
0x1ab: {  	[tilespmem:s2+$0x20] =	vst v4  }
0x1ac: {  	v4 =	vld [tilespmem:s3+$0x30];
	_ =	sdelay $0x4  }
0x1ad: {  	vm0 =	veq.s32 v4, v0  }
0x1ae: {  	v5 =	vsel vm0, $0x1, v1  }
0x1af: {  	(xrf0) =	vadd.scan.msk.s32 $0xffff, v5  }
0x1b0: {  	s6 =	spop (v2sf);
	_ =	sdelay $0x4  }
0x1b1: {  	v5 =	vsel vm0, $0xFFFFFFFF, v1;
	v6, _, _ =	vpop (xrf0)  }
0x1b2: {  	s5 =	sadd.s32 s5, s6;
	v5 =	vadd.s32 v5, v6;
	(v2sf) =	vpush v6, $0xF  }
0x1b3: {  	v5 =	vadd.s32 s5, v5  }
0x1b4: {  	vm1 =	vlt.s32 v5, v2  }
0x1b5: {  	vm2 =	vgt.s32 v4, v0;
	vm0 =	vmand vm0, vm1  }
0x1b6: {  	vm0 =	vmor vm2, vm0  }
0x1b7: {  	v4 =	vsel vm0, $0x3F800000, v3  }
0x1b8: {  	s3 =	sadd.s32 $0x80, s3;
	[tilespmem:s2+$0x30] =	vst v4  }
0x1b9: {  	v4 =	vld [tilespmem:s3+$0xFFFFFFC0];
	_ =	sdelay $0x3  }
.Ltmp7:
0x1ba: {  	(pc) =	sbr.rel @p1 .LBB2_13-.Ltmp7, $4  }
0x1bb: {  	vm0 =	veq.s32 v4, v0  }
0x1bc: {  	v5 =	vsel vm0, $0x1, v1  }
0x1bd: {  	(xrf0) =	vadd.scan.msk.s32 $0xffff, v5  }
0x1be: {  	s6 =	spop (v2sf)  }
0x1bf: {  	_ =	sdelay $0x2  }
0x1c0: {  	s4 =	sadd.s32 s5, s6;
	v5 =	vsel vm0, $0xFFFFFFFF, v1  }
0x1c1: {  	v5 =	vadd.s32 s4, v5;
	v6, _, _ =	vpop (xrf0)  }
0x1c2: {  	v5 =	vadd.s32 v6, v5  }
0x1c3: {  	vm1 =	vlt.s32 v5, v2  }
0x1c4: {  	vm2 =	vgt.s32 v4, v0;
	vm6 =	vmand vm0, vm1  }
0x1c5: {  	vm0 =	vmor vm2, vm6  }
0x1c6: {  	s2 =	sadd.s32 $0x80, s2;
	(v2sf) =	vpush v6, $0xF;
	v36 =	vsel vm0, $0x3F800000, v3  }
0x1c7: {  	[tilespmem:s2+$0xFFFFFFC0] =	vst v36  }
0x1c8: {  	v4 =	vld [tilespmem:s3+$0xFFFFFFD0];
	_ =	sdelay $0x4  }
0x1c9: {  	vm7 =	veq.s32 v4, v0  }
0x1ca: {  	v37 =	vsel vm7, $0x1, v1  }
0x1cb: {  	(xrf0) =	vadd.scan.msk.s32 $0xffff, v37;
	_ =	sdelay $0x5  }
0x1cc: {  	v38 =	vsel vm7, $0xFFFFFFFF, v1;
	s21 =	spop (v2sf);
	v39, _, _ =	vpop (xrf0)  }
0x1cd: {  	s4 =	sadd.s32 s4, s21;
	v5 =	vadd.s32 v38, v39  }
0x1ce: {  	v5 =	vadd.s32 s4, v5  }
0x1cf: {  	vm8 =	vlt.s32 v5, v2  }
0x1d0: {  	vm9 =	vgt.s32 v4, v0;
	vm0 =	vmand vm7, vm8  }
0x1d1: {  	vm0 =	vmor vm9, vm0  }
0x1d2: {  	(v2sf) =	vpush v39, $0xF;
	v40 =	vsel vm0, $0x3F800000, v3  }
0x1d3: {  	[tilespmem:s2+$0xFFFFFFD0] =	vst v40  }
0x1d4: {  	v4 =	vld [tilespmem:s3+$0xFFFFFFE0];
	_ =	sdelay $0x4  }
0x1d5: {  	vm10 =	veq.s32 v4, v0  }
0x1d6: {  	v41 =	vsel vm10, $0x1, v1  }
0x1d7: {  	(xrf0) =	vadd.scan.msk.s32 $0xffff, v41;
	_ =	sdelay $0x5  }
0x1d8: {  	v42 =	vsel vm10, $0xFFFFFFFF, v1;
	s22 =	spop (v2sf);
	v43, _, _ =	vpop (xrf0)  }
0x1d9: {  	s4 =	sadd.s32 s4, s22;
	v5 =	vadd.s32 v42, v43  }
0x1da: {  	v5 =	vadd.s32 s4, v5  }
0x1db: {  	vm11 =	vlt.s32 v5, v2  }
0x1dc: {  	vm12 =	vgt.s32 v4, v0;
	vm0 =	vmand vm10, vm11  }
0x1dd: {  	vm0 =	vmor vm12, vm0  }
0x1de: {  	(v2sf) =	vpush v43, $0xF;
	v44 =	vsel vm0, $0x3F800000, v3  }
0x1df: {  	[tilespmem:s2+$0xFFFFFFE0] =	vst v44  }
0x1e0: {  	v4 =	vld [tilespmem:s3+$0xFFFFFFF0];
	_ =	sdelay $0x4  }
0x1e1: {  	vm13 =	veq.s32 v4, v0  }
0x1e2: {  	v45 =	vsel vm13, $0x1, v1  }
0x1e3: {  	(xrf0) =	vadd.scan.msk.s32 $0xffff, v45;
	_ =	sdelay $0x5  }
0x1e4: {  	v46 =	vsel vm13, $0xFFFFFFFF, v1;
	s23 =	spop (v2sf);
	v47, _, _ =	vpop (xrf0)  }
0x1e5: {  	s4 =	sadd.s32 s4, s23;
	v5 =	vadd.s32 v46, v47  }
0x1e6: {  	v5 =	vadd.s32 s4, v5  }
0x1e7: {  	vm14 =	vlt.s32 v5, v2  }
0x1e8: {  	vm15 =	vgt.s32 v4, v0;
	vm0 =	vmand vm13, vm14  }
0x1e9: {  	vm0 =	vmor vm15, vm0  }
0x1ea: {  	(v2sf) =	vpush v47, $0xF;
	v48 =	vsel vm0, $0x3F800000, v3  }
0x1eb: {  	[tilespmem:s2+$0xFFFFFFF0] =	vst v48  }
0x1ec: {  	v4 =	vld [tilespmem:s3+$0x0];
	_ =	sdelay $0x4  }
0x1ed: {  	vm4 =	veq.s32 v4, v0  }
0x1ee: {  	v49 =	vsel vm4, $0x1, v1  }
0x1ef: {  	(xrf0) =	vadd.scan.msk.s32 $0xffff, v49;
	_ =	sdelay $0x5  }
0x1f0: {  	v50 =	vsel vm4, $0xFFFFFFFF, v1;
	s24 =	spop (v2sf);
	v51, _, _ =	vpop (xrf0)  }
0x1f1: {  	s4 =	sadd.s32 s4, s24;
	v5 =	vadd.s32 v50, v51  }
0x1f2: {  	v5 =	vadd.s32 s4, v5  }
0x1f3: {  	vm5 =	vlt.s32 v5, v2  }
0x1f4: {  	vm6 =	vgt.s32 v4, v0;
	vm0 =	vmand vm4, vm5  }
0x1f5: {  	vm0 =	vmor vm6, vm0  }
0x1f6: {  	(v2sf) =	vpush v51, $0xF;
	v52 =	vsel vm0, $0x3F800000, v3  }
0x1f7: {  	[tilespmem:s2+$0x0] =	vst v52  }
0x1f8: {  	v4 =	vld [tilespmem:s3+$0x10];
	_ =	sdelay $0x4  }
0x1f9: {  	vm7 =	veq.s32 v4, v0  }
0x1fa: {  	v53 =	vsel vm7, $0x1, v1  }
0x1fb: {  	(xrf0) =	vadd.scan.msk.s32 $0xffff, v53;
	_ =	sdelay $0x5  }
0x1fc: {  	v54 =	vsel vm7, $0xFFFFFFFF, v1;
	s25 =	spop (v2sf);
	v55, _, _ =	vpop (xrf0)  }
0x1fd: {  	s4 =	sadd.s32 s4, s25;
	v5 =	vadd.s32 v54, v55  }
0x1fe: {  	v5 =	vadd.s32 s4, v5  }
0x1ff: {  	vm8 =	vlt.s32 v5, v2  }
0x200: {  	vm9 =	vgt.s32 v4, v0;
	vm0 =	vmand vm7, vm8  }
0x201: {  	vm0 =	vmor vm9, vm0  }
0x202: {  	(v2sf) =	vpush v55, $0xF;
	v56 =	vsel vm0, $0x3F800000, v3  }
0x203: {  	[tilespmem:s2+$0x10] =	vst v56  }
0x204: {  	v4 =	vld [tilespmem:s3+$0x20];
	_ =	sdelay $0x4  }
0x205: {  	vm10 =	veq.s32 v4, v0  }
0x206: {  	v57 =	vsel vm10, $0x1, v1  }
0x207: {  	(xrf0) =	vadd.scan.msk.s32 $0xffff, v57;
	_ =	sdelay $0x5  }
0x208: {  	v58 =	vsel vm10, $0xFFFFFFFF, v1;
	s26 =	spop (v2sf);
	v59, _, _ =	vpop (xrf0)  }
0x209: {  	s4 =	sadd.s32 s4, s26;
	v5 =	vadd.s32 v58, v59  }
0x20a: {  	v5 =	vadd.s32 s4, v5  }
0x20b: {  	vm11 =	vlt.s32 v5, v2  }
0x20c: {  	vm12 =	vgt.s32 v4, v0;
	vm0 =	vmand vm10, vm11  }
0x20d: {  	vm0 =	vmor vm12, vm0  }
0x20e: {  	v60 =	vsel vm0, $0x3F800000, v3  }
0x20f: {  	[tilespmem:s2+$0x20] =	vst v60  }
0x210: {  	v4 =	vld [tilespmem:s3+$0x30];
	_ =	sdelay $0x4  }
0x211: {  	(v2sf) =	vpush v59, $0xF;
	vm13 =	veq.s32 v4, v0  }
0x212: {  	v61 =	vsel vm13, $0x1, v1  }
0x213: {  	(xrf0) =	vadd.scan.msk.s32 $0xffff, v61;
	_ =	sdelay $0x5  }
0x214: {  	v5, _, _ =	vpop (xrf0)  }
0x215: {  	(v2sf) =	vpush v5, $0xF;
	_ =	sdelay $0x5  }
0x216: {  	v62 =	vsel vm13, $0xFFFFFFFF, v1;
	s28 =	spop (v2sf)  }
0x217: {  	s3 =	sadd.s32 s4, s28;
	v1 =	vadd.s32 v62, v5  }
0x218: {  	v1 =	vadd.s32 s3, v1  }
0x219: {  	vm14 =	vlt.s32 v1, v2  }
0x21a: {  	vm15 =	vgt.s32 v4, v0;
	vm0 =	vmand vm13, vm14  }
0x21b: {  	vm0 =	vmor vm15, vm0  }
0x21c: {  	v63 =	vsel vm0, $0x3F800000, v3  }
0x21d: {  	s29 =	simm.s32 $0x0;
	s30 =	simm.s32 $0x2000;
	[tilespmem:s2+$0x30] =	vst v63  }
0x21e: {  	[hbm4b:s1+s29] =	stream.linear.scatter [tilespmem:s30], [sflag:$0x1], $0x1000, $0x38;
	[tilespmem:$0x3000] =	vst v63  }
0x21f: {  	s1 =	simm.s32 $0x1;
	s31 =	spop (v2sf)  }
0x220: {  	_ =	swait.ge [sflag:s1], $0x1000  }
0x221: {  	[sflag:s1] =	ssyncset.done $0x0  }
0x222: {  	[sflag:s1] =	ssyncadd.s32 $0xFFFFF000  }
.LBB2_15:
0x223: {  	_ =	sfence.sel $0x180000  }
0x224: {  	[bflag:$0x0] =	sbarrier.arrive $0xFFFF  }
0x225: {  	_ =	strace $0x90000047  }
0x226: {  	s0 =	sadd.s32 @!p0 $0x100000, s0;
	[bflag:$0x2] =	sbarrier.arrive $0xFFFF  }
0x227: {  	[sflag:s0] =	ssyncadd.tile.s32 @!p0 $0x1;
	_ =	shalt  }
.Lfunc_end2:
_tile_overlayer_lowered:
.L_overlay_start_2:
0x228: {  	(tag) =	ssettag $0x2  }
0x229: {  	s0 =	rddreg [dreg:$0x0];
	s2 =	stileid.u32  }
0x22a: {  	s1 =	rddreg [dreg:$0x1];
	p0 =	sne.s32 s2, $0x0  }
0x22b: {  	s3 =	rddreg [dreg:$0x2];
	[bflag:$0x3] =	sbarrier.arrive $0xFFFF;
	s2 =	simm.s32 @!p0 $0x1C01  }
0x22c: {  	[timem:s3], [sflag:s2] =	dma.local @!p0 [hbm:s0], s1  }
0x22d: {  	s0 =	simm.s32 @!p0 $0x1  }
0x22e: {  	_ =	swait.ge @!p0 [sflag:s0], s1  }
0x22f: {  	s1 =	ssub.s32 @!p0 $0x0, s1;
	[sflag:s0] =	ssyncset.done @!p0 $0x0  }
0x230: {  	[sflag:s0] =	ssyncadd.s32 @!p0 s1  }
0x231: {  	[bflag:$0x3] =	sbarrier.arrive $0xFFFF  }
0x232: {  	_ =	shalt  }

</sc_bundles>
